<compile_context>
chip_gen: v7x
topology: tpu7x:2x2x1
jax: 0.10.2.dev20260603
libtpu: 0.0.44.dev20260713+nightly
codegen_flags: <defaults>
</compile_context>

<pallas_src>
import functools

import jax
import jax.numpy as jnp
from jax import lax
from jax.experimental import pallas as pl
from jax.experimental.pallas import tpu as pltpu
from jax.experimental.pallas import tpu_sc as plsc

_N = 10000
_E = 160000
_D = 256
_H = 512

_NS = 16
_C = 128
_NCHUNK = _E // _C
_NH = _N // 2
_TRASH = _NH
_RPT = 312
_MAXC = 79
_TRI = 21


def _sc_aggregate(h_v, src2e, dst, zer):
    mesh = plsc.VectorSubcoreMesh(core_axis_name="c", subcore_axis_name="s")

    @functools.partial(
        pl.kernel,
        out_type=jax.ShapeDtypeStruct((2, _N, 128), jnp.float32),
        mesh=mesh,
        scratch_types=[
            pltpu.VMEM((_MAXC * _C,), jnp.int32),
            pltpu.VMEM((_C,), jnp.int32),
            pltpu.VMEM((_C,), jnp.int32),
            pltpu.VMEM((_C,), jnp.int32),
            pltpu.VMEM((_C,), jnp.int32),
            pltpu.VMEM((_C, 128), jnp.float32),
            pltpu.VMEM((_C, 128), jnp.float32),
            pltpu.VMEM((_C, 128), jnp.float32),
            pltpu.VMEM((_C, 128), jnp.float32),
            pltpu.VMEM_SHARED((_NH + 8, 128), jnp.float32),
            pltpu.SemaphoreType.DMA,
            pltpu.SemaphoreType.DMA,
            pltpu.SemaphoreType.DMA,
            pltpu.SemaphoreType.DMA,
            pltpu.SemaphoreType.DMA,
            pltpu.SemaphoreType.DMA,
            pltpu.SemaphoreType.DMA,
            pltpu.SemaphoreType.DMA,
            pltpu.SemaphoreType.DMA,
            pltpu.SemaphoreType.DMA,
            pltpu.SemaphoreType.DMA,
            pltpu.SemaphoreType.DMA,
            pltpu.SemaphoreType.DMA,
        ],
    )
    def k(h_hbm, src_hbm, dst_hbm, zer_hbm, out_hbm,
          src_all, di0, di1, di2, di3, b0, b1_, b2_, b3_,
          acc, sem_i, sg0, sg1, sg2, sg3, ss0, ss1, ss2, ss3,
          sd0, sd1, sd2, sd3):
        cid = lax.axis_index("c")
        sid = lax.axis_index("s")
        nbase = cid * _NH
        nct = jnp.where(sid < 2, _MAXC, _MAXC - 1)
        bufs = (b0, b1_, b2_, b3_)
        dis = (di0, di1, di2, di3)
        sgs = (sg0, sg1, sg2, sg3)
        sss = (ss0, ss1, ss2, ss3)
        sds = (sd0, sd1, sd2, sd3)

        def fire(m, carry):
            off = pl.multiple_of((sid + m * _NS) * _C, 128)
            v = pl.multiple_of(m * _C, 8)
            pltpu.async_copy(src_hbm.at[pl.ds(off, _C)],
                             src_all.at[pl.ds(v, _C)], sem_i)
            return carry

        lax.fori_loop(0, nct, fire, 0)

        def draini(m, carry):
            v = pl.multiple_of(m * _C, 8)
            pltpu.make_async_copy(src_hbm.at[pl.ds(0, _C)],
                                  src_all.at[pl.ds(v, _C)], sem_i).wait()
            return carry

        lax.fori_loop(0, nct, draini, 0)

        r0 = sid * _RPT

        def start_dload(d_ref, m, sem):
            off = pl.multiple_of((sid + m * _NS) * _C, 128)
            pltpu.async_copy(dst_hbm.at[pl.ds(off, _C)], d_ref, sem)

        def wait_dload(d_ref, sem):
            pltpu.make_async_copy(dst_hbm.at[pl.ds(0, _C)], d_ref, sem).wait()

        def localize(d_ref):
            def go(i, carry):
                d = d_ref[pl.ds(i * 16, 16)] - nbase
                ok = (d >= 0) & (d < _NH)
                d_ref[pl.ds(i * 16, 16)] = jnp.where(ok, d, _TRASH)
                return carry

            lax.fori_loop(0, _C // 16, go, 0)

        def start_gather(buf, m, sem):
            off = pl.multiple_of(m * _C, 8)
            pltpu.async_copy(h_hbm.at[src_all.at[pl.ds(off, _C)]], buf, sem)

        def wait_gather(buf, sem):
            pltpu.make_async_copy(h_hbm.at[src_all.at[pl.ds(0, _C)]],
                                  buf, sem).wait()

        def start_scatter(buf, idx_ref, sem):
            pltpu.async_copy(buf, acc.at[idx_ref], sem, add=True)

        def wait_scatter(buf, idx_ref, sem):
            pltpu.make_async_copy(buf, acc.at[idx_ref], sem).wait()

        for p in range(2):
            if p == 1:
                def bump(i, carry):
                    v = src_all[pl.ds(i * 16, 16)]
                    src_all[pl.ds(i * 16, 16)] = v + 1
                    return carry

                lax.fori_loop(0, nct * (_C // 16), bump, 0)

            pltpu.sync_copy(zer_hbm, acc.at[pl.ds(r0, _RPT)])

            @pl.when(sid == _NS - 1)
            def _():
                pltpu.sync_copy(zer_hbm.at[pl.ds(0, 16)],
                                acc.at[pl.ds(_NS * _RPT, 16)])

            plsc.subcore_barrier()

            start_dload(di0, 0, sd0)
            start_gather(b0, 0, sg0)

            def pipe(j, carry):
                for t in range(4):
                    m = 4 * j + t
                    r = t
                    r1 = (t + 1) % 4

                    @pl.when(m < nct)
                    def _():
                        wait_gather(bufs[r], sgs[r])
                        wait_dload(dis[r], sds[r])
                        localize(dis[r])
                        start_scatter(bufs[r], dis[r], sss[r])

                    @pl.when((m >= 3) & (m - 3 < nct))
                    def _():
                        wait_scatter(bufs[r1], dis[r1], sss[r1])

                    @pl.when(m + 1 < nct)
                    def _():
                        start_dload(dis[r1], m + 1, sds[r1])
                        start_gather(bufs[r1], m + 1, sgs[r1])

                return carry

            lax.fori_loop(0, _TRI, pipe, 0)
            plsc.subcore_barrier()

            pltpu.sync_copy(acc.at[pl.ds(r0, _RPT)],
                            out_hbm.at[p, pl.ds(nbase + r0, _RPT)])

            @pl.when(sid == _NS - 1)
            def _():
                t0 = _NS * _RPT
                pltpu.sync_copy(acc.at[pl.ds(t0, 8)],
                                out_hbm.at[p, pl.ds(nbase + t0, 8)])

            plsc.subcore_barrier()

    return k(h_v, src2e, dst, zer)


_R = 1000


def _mlp_body(eps_ref, hr, alo, ahi, w1lo, w1hi, b1r, w2r, b2r,
              g1r, bt1r, g2r, bt2r, out_ref,
              z1_s, y_s, s1, q1, s2, q2, c1, c2):
    p = pl.program_id(0)
    i = pl.program_id(1)

    @pl.when(p == 0)
    def _():
        e1 = 1.0 + eps_ref[0, 0]
        hv = hr[...] * e1
        zlo = hv[:, :128] + alo[0]
        zhi = hv[:, 128:] + ahi[0]
        acc = jnp.dot(zlo, w1lo[...], preferred_element_type=jnp.float32)
        acc = acc + jnp.dot(zhi, w1hi[...], preferred_element_type=jnp.float32)
        acc = acc + b1r[...]
        z1_s[pl.ds(i * _R, _R), :] = acc
        ps = jnp.sum(acc, axis=0, keepdims=True)
        pq = jnp.sum(acc * acc, axis=0, keepdims=True)

        @pl.when(i == 0)
        def _():
            s1[...] = ps
            q1[...] = pq

        @pl.when(i != 0)
        def _():
            s1[...] += ps
            q1[...] += pq

    @pl.when(p == 1)
    def _():
        @pl.when(i == 0)
        def _():
            mean = s1[...] / _N
            var = q1[...] / _N - mean * mean
            sc = g1r[...] * lax.rsqrt(var + 1e-5)
            c1[0:1, :] = sc
            c1[1:2, :] = bt1r[...] - mean * sc

        a = jnp.maximum(z1_s[pl.ds(i * _R, _R), :] * c1[0:1, :] + c1[1:2, :],
                        0.0)
        y = jnp.dot(a, w2r[...], preferred_element_type=jnp.float32)
        y = y + b2r[...] + hr[...]
        y_s[pl.ds(i * _R, _R), :] = y
        ps = jnp.sum(y, axis=0, keepdims=True)
        pq = jnp.sum(y * y, axis=0, keepdims=True)

        @pl.when(i == 0)
        def _():
            s2[...] = ps
            q2[...] = pq

        @pl.when(i != 0)
        def _():
            s2[...] += ps
            q2[...] += pq

    @pl.when(p == 2)
    def _():
        @pl.when(i == 0)
        def _():
            mean = s2[...] / _N
            var = q2[...] / _N - mean * mean
            sc = g2r[...] * lax.rsqrt(var + 1e-5)
            c2[0:1, :] = sc
            c2[1:2, :] = bt2r[...] - mean * sc

        out_ref[...] = jnp.maximum(
            y_s[pl.ds(i * _R, _R), :] * c2[0:1, :] + c2[1:2, :], 0.0)


def _mlp_fused(h, agg2, W1, b1r, W2, b2r, g1r, bt1r, g2r, bt2r, eps11):
    grid = (3, _N // _R)
    fix = lambda bi: (lambda p, i: bi)
    return pl.pallas_call(
        _mlp_body,
        grid=grid,
        in_specs=[
            pl.BlockSpec((1, 1), fix((0, 0))),
            pl.BlockSpec((_R, _D), lambda p, i: (jnp.where(p < 2, i, 0), 0)),
            pl.BlockSpec((1, _R, 128),
                         lambda p, i: (0, jnp.where(p == 0, i, 0), 0)),
            pl.BlockSpec((1, _R, 128),
                         lambda p, i: (1, jnp.where(p == 0, i, 0), 0)),
            pl.BlockSpec((128, _H), fix((0, 0))),
            pl.BlockSpec((128, _H), fix((1, 0))),
            pl.BlockSpec((1, _H), fix((0, 0))),
            pl.BlockSpec((_H, _D), fix((0, 0))),
            pl.BlockSpec((1, _D), fix((0, 0))),
            pl.BlockSpec((1, _H), fix((0, 0))),
            pl.BlockSpec((1, _H), fix((0, 0))),
            pl.BlockSpec((1, _D), fix((0, 0))),
            pl.BlockSpec((1, _D), fix((0, 0))),
        ],
        out_specs=pl.BlockSpec((_R, _D),
                               lambda p, i: (jnp.where(p == 2, i, 0), 0)),
        out_shape=jax.ShapeDtypeStruct((_N, _D), jnp.float32),
        scratch_shapes=[
            pltpu.VMEM((_N, _H), jnp.float32),
            pltpu.VMEM((_N, _D), jnp.float32),
            pltpu.VMEM((1, _H), jnp.float32),
            pltpu.VMEM((1, _H), jnp.float32),
            pltpu.VMEM((1, _D), jnp.float32),
            pltpu.VMEM((1, _D), jnp.float32),
            pltpu.VMEM((2, _H), jnp.float32),
            pltpu.VMEM((2, _D), jnp.float32),
        ],
    )(eps11, h, agg2, agg2, W1, W1, b1r, W2, b2r, g1r, bt1r, g2r, bt2r)


def kernel(h, edge_index, W1, b1, gamma1, beta1, W2, b2, eps, gamma2, beta2):
    src = edge_index[0].astype(jnp.int32)
    dst = edge_index[1].astype(jnp.int32)
    src2e = src * 2
    h_v = h.reshape(2 * _N, 128)

    zer = jnp.zeros((_RPT, 128), jnp.float32)
    agg2 = _sc_aggregate(h_v, src2e, dst, zer)

    eps11 = (eps.astype(jnp.float32)).reshape(1, 1)
    return _mlp_fused(h, agg2, W1, b1.reshape(1, _H), W2, b2.reshape(1, _D),
                      gamma1.reshape(1, _H), beta1.reshape(1, _H),
                      gamma2.reshape(1, _D), beta2.reshape(1, _D), eps11)

# --- scband reference (transcript-rebuilt; emitter-appended) ---
"""Pipeline reference for scband-ginlayer-82403242541532 (READ-ONLY COPY).

The authoritative reference and input builder live on the scoring server;
editing this copy changes nothing except your own understanding.
"""

import jax, jax.numpy as jnp
import numpy as np

N_NODES = 10000
N_EDGES = 160000
D = 256


def setup_inputs(seed: int = 0) -> dict:
    key = jax.random.key(seed)
    k_h, k_e, k1, k2, k3, k4 = jax.random.split(key, 6)
    h = jax.random.normal(k_h, (N_NODES, D), dtype=jnp.float32)
    edge_index = jax.random.randint(k_e, (2, N_EDGES), 0, N_NODES, dtype=jnp.int64)
    W1 = jax.random.normal(k1, (D, 2 * D), dtype=jnp.float32) * (1.0 / np.sqrt(D))
    b1 = jnp.zeros((2 * D,), dtype=jnp.float32)
    gamma1 = jnp.ones((2 * D,), dtype=jnp.float32)
    beta1 = jnp.zeros((2 * D,), dtype=jnp.float32)
    W2 = jax.random.normal(k2, (2 * D, D), dtype=jnp.float32) * (1.0 / np.sqrt(2 * D))
    b2 = jnp.zeros((D,), dtype=jnp.float32)
    eps = jnp.zeros((), dtype=jnp.float32)  # GIN train_eps initialized to 0
    gamma2 = jnp.ones((D,), dtype=jnp.float32)
    beta2 = jnp.zeros((D,), dtype=jnp.float32)
    return {"h": h, "edge_index": edge_index, "W1": W1, "b1": b1,
            "gamma1": gamma1, "beta1": beta1, "W2": W2, "b2": b2,
            "eps": eps, "gamma2": gamma2, "beta2": beta2}


def _batch_norm(x, gamma, beta):
    mean = jnp.mean(x, axis=0)
    var = jnp.var(x, axis=0)
    return (x - mean) / jnp.sqrt(var + 1e-5) * gamma + beta


def reference(h, edge_index, W1, b1, gamma1, beta1, W2, b2, eps, gamma2, beta2):
    src = edge_index[0]
    dst = edge_index[1]
    # GIN aggregation: sum of neighbor features (gather + scatter-add)
    msgs = jnp.take(h, src, axis=0)
    agg = jax.ops.segment_sum(msgs, dst, num_segments=h.shape[0])
    z = (1.0 + eps) * h + agg
    # nn.Sequential: Linear -> BatchNorm1d -> ReLU -> Linear
    z = z @ W1 + b1
    z = _batch_norm(z, gamma1, beta1)
    z = jax.nn.relu(z)
    z = z @ W2 + b2
    # residual + BatchNorm + ReLU (dropout omitted: stochastic)
    out = z + h
    out = _batch_norm(out, gamma2, beta2)
    return jax.nn.relu(out)

if __name__ == "__main__":
    import jax
    _d = setup_inputs()
    print(jax.jit(kernel)(*tuple(_d.values())))

</pallas_src>

<mosaic_0001>
#map = affine_map<(d0, d1) -> (0, 0)>
#map1 = affine_map<(d0, d1) -> (0)>
#map2 = affine_map<(d0, d1) -> (0, 0, 0)>
module attributes {stable_mosaic.version = 14 : i64} {
  func.func @k(%arg0: i32, %arg1: i32, %arg2: memref<20000x128xf32, #tpu.memory_space<hbm>>, %arg3: memref<160000xi32, #tpu.memory_space<hbm>>, %arg4: memref<160000xi32, #tpu.memory_space<hbm>>, %arg5: memref<312x128xf32, #tpu.memory_space<hbm>>, %arg6: memref<2x10000x128xf32, #tpu.memory_space<hbm>>, %arg7: memref<10112xi32, #tpu.memory_space<vmem>>, %arg8: memref<128xi32, #tpu.memory_space<vmem>>, %arg9: memref<128xi32, #tpu.memory_space<vmem>>, %arg10: memref<128xi32, #tpu.memory_space<vmem>>, %arg11: memref<128xi32, #tpu.memory_space<vmem>>, %arg12: memref<128x128xf32, #tpu.memory_space<vmem>>, %arg13: memref<128x128xf32, #tpu.memory_space<vmem>>, %arg14: memref<128x128xf32, #tpu.memory_space<vmem>>, %arg15: memref<128x128xf32, #tpu.memory_space<vmem>>, %arg16: memref<5008x128xf32, #tpu.memory_space<vmem_shared>>, %arg17: memref<!tpu.dma_semaphore, #tpu.memory_space<semaphore_mem>>, %arg18: memref<!tpu.dma_semaphore, #tpu.memory_space<semaphore_mem>>, %arg19: memref<!tpu.dma_semaphore, #tpu.memory_space<semaphore_mem>>, %arg20: memref<!tpu.dma_semaphore, #tpu.memory_space<semaphore_mem>>, %arg21: memref<!tpu.dma_semaphore, #tpu.memory_space<semaphore_mem>>, %arg22: memref<!tpu.dma_semaphore, #tpu.memory_space<semaphore_mem>>, %arg23: memref<!tpu.dma_semaphore, #tpu.memory_space<semaphore_mem>>, %arg24: memref<!tpu.dma_semaphore, #tpu.memory_space<semaphore_mem>>, %arg25: memref<!tpu.dma_semaphore, #tpu.memory_space<semaphore_mem>>, %arg26: memref<!tpu.dma_semaphore, #tpu.memory_space<semaphore_mem>>, %arg27: memref<!tpu.dma_semaphore, #tpu.memory_space<semaphore_mem>>, %arg28: memref<!tpu.dma_semaphore, #tpu.memory_space<semaphore_mem>>, %arg29: memref<!tpu.dma_semaphore, #tpu.memory_space<semaphore_mem>>) attributes {dimension_semantics = [#tpu.dimension_semantics<core_parallel>, #tpu.dimension_semantics<subcore_parallel>], iteration_bounds = array<i64: 2, 16>, scalar_prefetch = 0 : i64, scratch_operands = 23 : i64, tpu.core_type = #tpu.core_type<sc_vector_subcore>, window_params = [{transform_indices = #map}, {transform_indices = #map1}, {transform_indices = #map1}, {transform_indices = #map}, {transform_indices = #map2}]} {
    %mul3A = arith.constant 5000 : i32
    %mul3A_0 = arith.muli %arg0, %mul3A : i32
    %lt3A = arith.constant 2 : i32
    %lt3A_1 = arith.cmpi slt, %arg1, %lt3A : i32
    %jit3A = arith.constant 79 : i32
    %jit3A_2 = arith.constant 78 : i32
    %select_n3A = arith.select %lt3A_1, %jit3A, %jit3A_2 : i32
    %while3A = arith.constant 0 : i32
    %while3A_3 = arith.constant 0 : i32
    %while3A_4 = arith.subi %select_n3A, %while3A_3 : i32
    %while3A_5 = arith.addi %while3A_3, %while3A_4 : i32
    %while3A_6 = arith.constant 1 : i32
    %while3A_7 = arith.divsi %while3A_4, %while3A_6 : i32
    %while3A_8 = arith.muli %while3A_7, %while3A_6 : i32
    %while3A_9 = arith.addi %while3A_3, %while3A_8 : i32
    %while3A_10 = arith.constant 1 : i32
    scf.for %while3A_95 = %while3A_3 to %while3A_9 step %while3A_10  : i32 {
      %mul3A_96 = arith.constant 16 : i32
      %mul3A_97 = arith.muli %while3A_95, %mul3A_96 : i32
      %add3A_98 = arith.addi %arg1, %mul3A_97 : i32
      %mul3A_99 = arith.constant 128 : i32
      %mul3A_100 = arith.muli %add3A_98, %mul3A_99 : i32
      %multiple_of3A_101 = tpu.assume_multiple %mul3A_100, 128 : i32
      %mul3A_102 = arith.constant 128 : i32
      %mul3A_103 = arith.muli %while3A_95, %mul3A_102 : i32
      %multiple_of3A_104 = tpu.assume_multiple %mul3A_103, 8 : i32
      %dma_start3A_105 = tpu.memref_slice %arg7[%multiple_of3A_104] : memref<10112xi32, #tpu.memory_space<vmem>> -> memref<128xi32, #tpu.memory_space<vmem>>
      %dma_start3A_106 = tpu.memref_slice %arg3[%multiple_of3A_101] : memref<160000xi32, #tpu.memory_space<hbm>> -> memref<128xi32, #tpu.memory_space<hbm>>
      %dma_start3A_107 = tpu.memref_slice %arg7[%multiple_of3A_104] : memref<10112xi32, #tpu.memory_space<vmem>> -> memref<128xi32, #tpu.memory_space<vmem>>
      %dma_start3A_108 = tpu.memref_slice %arg3[%multiple_of3A_101] : memref<160000xi32, #tpu.memory_space<hbm>> -> memref<128xi32, #tpu.memory_space<hbm>>
      tpu.enqueue_dma source(%dma_start3A_108 : memref<128xi32, #tpu.memory_space<hbm>>) target(%dma_start3A_107 : memref<128xi32, #tpu.memory_space<vmem>>) target_semaphore(%arg17 : memref<!tpu.dma_semaphore, #tpu.memory_space<semaphore_mem>>)
    }
    %while3A_11 = arith.constant 1 : i32
    scf.for %while3A_95 = %while3A_9 to %while3A_5 step %while3A_11  : i32 {
      %mul3A_96 = arith.constant 16 : i32
      %mul3A_97 = arith.muli %while3A_95, %mul3A_96 : i32
      %add3A_98 = arith.addi %arg1, %mul3A_97 : i32
      %mul3A_99 = arith.constant 128 : i32
      %mul3A_100 = arith.muli %add3A_98, %mul3A_99 : i32
      %multiple_of3A_101 = tpu.assume_multiple %mul3A_100, 128 : i32
      %mul3A_102 = arith.constant 128 : i32
      %mul3A_103 = arith.muli %while3A_95, %mul3A_102 : i32
      %multiple_of3A_104 = tpu.assume_multiple %mul3A_103, 8 : i32
      %dma_start3A_105 = tpu.memref_slice %arg7[%multiple_of3A_104] : memref<10112xi32, #tpu.memory_space<vmem>> -> memref<128xi32, #tpu.memory_space<vmem>>
      %dma_start3A_106 = tpu.memref_slice %arg3[%multiple_of3A_101] : memref<160000xi32, #tpu.memory_space<hbm>> -> memref<128xi32, #tpu.memory_space<hbm>>
      %dma_start3A_107 = tpu.memref_slice %arg7[%multiple_of3A_104] : memref<10112xi32, #tpu.memory_space<vmem>> -> memref<128xi32, #tpu.memory_space<vmem>>
      %dma_start3A_108 = tpu.memref_slice %arg3[%multiple_of3A_101] : memref<160000xi32, #tpu.memory_space<hbm>> -> memref<128xi32, #tpu.memory_space<hbm>>
      tpu.enqueue_dma source(%dma_start3A_108 : memref<128xi32, #tpu.memory_space<hbm>>) target(%dma_start3A_107 : memref<128xi32, #tpu.memory_space<vmem>>) target_semaphore(%arg17 : memref<!tpu.dma_semaphore, #tpu.memory_space<semaphore_mem>>)
    }
    %while3A_12 = arith.constant 0 : i32
    %while3A_13 = arith.constant 0 : i32
    %while3A_14 = arith.subi %select_n3A, %while3A_13 : i32
    %while3A_15 = arith.addi %while3A_13, %while3A_14 : i32
    %while3A_16 = arith.constant 1 : i32
    %while3A_17 = arith.divsi %while3A_14, %while3A_16 : i32
    %while3A_18 = arith.muli %while3A_17, %while3A_16 : i32
    %while3A_19 = arith.addi %while3A_13, %while3A_18 : i32
    %while3A_20 = arith.constant 1 : i32
    scf.for %while3A_95 = %while3A_13 to %while3A_19 step %while3A_20  : i32 {
      %mul3A_96 = arith.constant 128 : i32
      %mul3A_97 = arith.muli %while3A_95, %mul3A_96 : i32
      %multiple_of3A_98 = tpu.assume_multiple %mul3A_97, 8 : i32
      %dma_wait3A = tpu.memref_slice %arg7[%multiple_of3A_98] : memref<10112xi32, #tpu.memory_space<vmem>> -> memref<128xi32, #tpu.memory_space<vmem>>
      %dma_wait3A_99 = arith.constant 0 : i32
      %dma_wait3A_100 = tpu.memref_slice %arg3[%dma_wait3A_99] : memref<160000xi32, #tpu.memory_space<hbm>> -> memref<128xi32, #tpu.memory_space<hbm>>
      %dma_wait3A_101 = tpu.memref_slice %arg7[%multiple_of3A_98] : memref<10112xi32, #tpu.memory_space<vmem>> -> memref<128xi32, #tpu.memory_space<vmem>>
      %dma_wait3A_102 = arith.constant 0 : i32
      %dma_wait3A_103 = tpu.memref_slice %arg3[%dma_wait3A_102] : memref<160000xi32, #tpu.memory_space<hbm>> -> memref<128xi32, #tpu.memory_space<hbm>>
      tpu.wait_dma2 semaphore(%arg17 : memref<!tpu.dma_semaphore, #tpu.memory_space<semaphore_mem>>) src(%dma_wait3A_103 : memref<128xi32, #tpu.memory_space<hbm>>) dst(%dma_wait3A_101 : memref<128xi32, #tpu.memory_space<vmem>>)
    }
    %while3A_21 = arith.constant 1 : i32
    scf.for %while3A_95 = %while3A_19 to %while3A_15 step %while3A_21  : i32 {
      %mul3A_96 = arith.constant 128 : i32
      %mul3A_97 = arith.muli %while3A_95, %mul3A_96 : i32
      %multiple_of3A_98 = tpu.assume_multiple %mul3A_97, 8 : i32
      %dma_wait3A = tpu.memref_slice %arg7[%multiple_of3A_98] : memref<10112xi32, #tpu.memory_space<vmem>> -> memref<128xi32, #tpu.memory_space<vmem>>
      %dma_wait3A_99 = arith.constant 0 : i32
      %dma_wait3A_100 = tpu.memref_slice %arg3[%dma_wait3A_99] : memref<160000xi32, #tpu.memory_space<hbm>> -> memref<128xi32, #tpu.memory_space<hbm>>
      %dma_wait3A_101 = tpu.memref_slice %arg7[%multiple_of3A_98] : memref<10112xi32, #tpu.memory_space<vmem>> -> memref<128xi32, #tpu.memory_space<vmem>>
      %dma_wait3A_102 = arith.constant 0 : i32
      %dma_wait3A_103 = tpu.memref_slice %arg3[%dma_wait3A_102] : memref<160000xi32, #tpu.memory_space<hbm>> -> memref<128xi32, #tpu.memory_space<hbm>>
      tpu.wait_dma2 semaphore(%arg17 : memref<!tpu.dma_semaphore, #tpu.memory_space<semaphore_mem>>) src(%dma_wait3A_103 : memref<128xi32, #tpu.memory_space<hbm>>) dst(%dma_wait3A_101 : memref<128xi32, #tpu.memory_space<vmem>>)
    }
    %mul3A_22 = arith.constant 312 : i32
    %mul3A_23 = arith.muli %arg1, %mul3A_22 : i32
    "tpu.region"() ({
      %run_scoped3A_95 = tpu.sem_alloc : memref<!tpu.dma_semaphore, #tpu.memory_space<semaphore_mem>>
      %dma_start3A_96 = arith.constant 0 : i32
      %dma_start3A_97 = tpu.memref_slice %arg16[%mul3A_23, %dma_start3A_96] : memref<5008x128xf32, #tpu.memory_space<vmem_shared>> -> memref<312x128xf32, #tpu.memory_space<vmem_shared>>
      tpu.enqueue_dma source(%arg5 : memref<312x128xf32, #tpu.memory_space<hbm>>) target(%dma_start3A_97 : memref<312x128xf32, #tpu.memory_space<vmem_shared>>) target_semaphore(%run_scoped3A_95 : memref<!tpu.dma_semaphore, #tpu.memory_space<semaphore_mem>>)
      %dma_wait3A = arith.constant 0 : i32
      %dma_wait3A_98 = tpu.memref_slice %arg16[%mul3A_23, %dma_wait3A] : memref<5008x128xf32, #tpu.memory_space<vmem_shared>> -> memref<312x128xf32, #tpu.memory_space<vmem_shared>>
      tpu.wait_dma2 semaphore(%run_scoped3A_95 : memref<!tpu.dma_semaphore, #tpu.memory_space<semaphore_mem>>) src(%arg5 : memref<312x128xf32, #tpu.memory_space<hbm>>) dst(%dma_wait3A_98 : memref<312x128xf32, #tpu.memory_space<vmem_shared>>)
      tpu.yield
    }) : () -> ()
    %eq3A = arith.constant 15 : i32
    %eq3A_24 = arith.cmpi eq, %arg1, %eq3A : i32
    %convert_element_type3A = arith.extui %eq3A_24 : i1 to i32
    %cond3A = arith.constant 0 : i32
    %cond3A_25 = arith.cmpi ne, %convert_element_type3A, %cond3A : i32
    scf.if %cond3A_25 {
      "tpu.region"() ({
        %run_scoped3A_95 = tpu.sem_alloc : memref<!tpu.dma_semaphore, #tpu.memory_space<semaphore_mem>>
        %dma_start3A_96 = arith.constant 4992 : i32
        %dma_start3A_97 = arith.constant 0 : i32
        %dma_start3A_98 = tpu.memref_slice %arg16[%dma_start3A_96, %dma_start3A_97] : memref<5008x128xf32, #tpu.memory_space<vmem_shared>> -> memref<16x128xf32, #tpu.memory_space<vmem_shared>>
        %dma_start3A_99 = arith.constant 0 : i32
        %dma_start3A_100 = arith.constant 0 : i32
        %dma_start3A_101 = tpu.memref_slice %arg5[%dma_start3A_99, %dma_start3A_100] : memref<312x128xf32, #tpu.memory_space<hbm>> -> memref<16x128xf32, #tpu.memory_space<hbm>>
        tpu.enqueue_dma source(%dma_start3A_101 : memref<16x128xf32, #tpu.memory_space<hbm>>) target(%dma_start3A_98 : memref<16x128xf32, #tpu.memory_space<vmem_shared>>) target_semaphore(%run_scoped3A_95 : memref<!tpu.dma_semaphore, #tpu.memory_space<semaphore_mem>>)
        %dma_wait3A = arith.constant 4992 : i32
        %dma_wait3A_102 = arith.constant 0 : i32
        %dma_wait3A_103 = tpu.memref_slice %arg16[%dma_wait3A, %dma_wait3A_102] : memref<5008x128xf32, #tpu.memory_space<vmem_shared>> -> memref<16x128xf32, #tpu.memory_space<vmem_shared>>
        %dma_wait3A_104 = arith.constant 0 : i32
        %dma_wait3A_105 = arith.constant 0 : i32
        %dma_wait3A_106 = tpu.memref_slice %arg5[%dma_wait3A_104, %dma_wait3A_105] : memref<312x128xf32, #tpu.memory_space<hbm>> -> memref<16x128xf32, #tpu.memory_space<hbm>>
        tpu.wait_dma2 semaphore(%run_scoped3A_95 : memref<!tpu.dma_semaphore, #tpu.memory_space<semaphore_mem>>) src(%dma_wait3A_106 : memref<16x128xf32, #tpu.memory_space<hbm>>) dst(%dma_wait3A_103 : memref<16x128xf32, #tpu.memory_space<vmem_shared>>)
        tpu.yield
      }) : () -> ()
    } else {
    }
    %barrier3A = arith.constant 0 : index
    tpu.barrier barrier_id(%barrier3A)
    %add3A = arith.constant 0 : i32
    %add3A_26 = arith.addi %arg1, %add3A : i32
    %mul3A_27 = arith.constant 128 : i32
    %mul3A_28 = arith.muli %add3A_26, %mul3A_27 : i32
    %multiple_of3A = tpu.assume_multiple %mul3A_28, 128 : i32
    %dma_start3A = tpu.memref_slice %arg4[%multiple_of3A] : memref<160000xi32, #tpu.memory_space<hbm>> -> memref<128xi32, #tpu.memory_space<hbm>>
    %dma_start3A_29 = tpu.memref_slice %arg4[%multiple_of3A] : memref<160000xi32, #tpu.memory_space<hbm>> -> memref<128xi32, #tpu.memory_space<hbm>>
    tpu.enqueue_dma source(%dma_start3A_29 : memref<128xi32, #tpu.memory_space<hbm>>) target(%arg8 : memref<128xi32, #tpu.memory_space<vmem>>) target_semaphore(%arg26 : memref<!tpu.dma_semaphore, #tpu.memory_space<semaphore_mem>>)
    %multiple_of3A_30 = arith.constant 0 : i32
    %multiple_of3A_31 = tpu.assume_multiple %multiple_of3A_30, 8 : i32
    %dma_start3A_32 = tpu.memref_slice %arg7[%multiple_of3A_31] : memref<10112xi32, #tpu.memory_space<vmem>> -> memref<128xi32, #tpu.memory_space<vmem>>
    %dma_start3A_33 = arith.constant 0 : i32
    %dma_start3A_34 = arith.constant 0 : i32
    %dma_start3A_35 = tpu.memref_slice %arg2[%dma_start3A_33, %dma_start3A_34] : memref<20000x128xf32, #tpu.memory_space<hbm>> -> memref<20000x128xf32, #tpu.memory_space<hbm>>
    tpu.enqueue_indirect_dma source(%dma_start3A_35 : memref<20000x128xf32, #tpu.memory_space<hbm>>) target(%arg12 : memref<128x128xf32, #tpu.memory_space<vmem>>) offsets(%dma_start3A_32 : memref<128xi32, #tpu.memory_space<vmem>>) semaphore(%arg18 : memref<!tpu.dma_semaphore, #tpu.memory_space<semaphore_mem>>)
    %scan3A = arith.constant 0 : i32
    %scan3A_36 = arith.constant 0 : i32
    %scan3A_37 = arith.constant 21 : i32
    %scan3A_38 = arith.addi %scan3A_36, %scan3A_37 : i32
    %scan3A_39 = arith.constant 1 : i32
    scf.for %scan3A_95 = %scan3A_36 to %scan3A_38 step %scan3A_39  : i32 {
      %mul3A_96 = arith.constant 4 : i32
      %mul3A_97 = arith.muli %mul3A_96, %scan3A_95 : i32
      %add3A_98 = arith.constant 0 : i32
      %add3A_99 = arith.addi %mul3A_97, %add3A_98 : i32
      %lt3A_100 = arith.cmpi slt, %add3A_99, %select_n3A : i32
      %convert_element_type3A_101 = arith.extui %lt3A_100 : i1 to i32
      %cond3A_102 = arith.constant 0 : i32
      %cond3A_103 = arith.cmpi ne, %convert_element_type3A_101, %cond3A_102 : i32
      scf.if %cond3A_103 {
        %dma_wait3A = arith.constant 0 : i32
        %dma_wait3A_185 = tpu.memref_slice %arg7[%dma_wait3A] : memref<10112xi32, #tpu.memory_space<vmem>> -> memref<128xi32, #tpu.memory_space<vmem>>
        %dma_wait3A_186 = arith.constant 0 : i32
        %dma_wait3A_187 = arith.constant 0 : i32
        %dma_wait3A_188 = tpu.memref_slice %arg2[%dma_wait3A_186, %dma_wait3A_187] : memref<20000x128xf32, #tpu.memory_space<hbm>> -> memref<20000x128xf32, #tpu.memory_space<hbm>>
        tpu.wait_indirect_dma semaphore(%arg18 : memref<!tpu.dma_semaphore, #tpu.memory_space<semaphore_mem>>) src(%dma_wait3A_188 : memref<20000x128xf32, #tpu.memory_space<hbm>>) dst(%arg12 : memref<128x128xf32, #tpu.memory_space<vmem>>)
        %dma_wait3A_189 = arith.constant 0 : i32
        %dma_wait3A_190 = tpu.memref_slice %arg4[%dma_wait3A_189] : memref<160000xi32, #tpu.memory_space<hbm>> -> memref<128xi32, #tpu.memory_space<hbm>>
        %dma_wait3A_191 = arith.constant 0 : i32
        %dma_wait3A_192 = tpu.memref_slice %arg4[%dma_wait3A_191] : memref<160000xi32, #tpu.memory_space<hbm>> -> memref<128xi32, #tpu.memory_space<hbm>>
        tpu.wait_dma2 semaphore(%arg26 : memref<!tpu.dma_semaphore, #tpu.memory_space<semaphore_mem>>) src(%dma_wait3A_192 : memref<128xi32, #tpu.memory_space<hbm>>) dst(%arg8 : memref<128xi32, #tpu.memory_space<vmem>>)
        %scan3A_193 = arith.constant 0 : i32
        %scan3A_194 = arith.constant 0 : i32
        %scan3A_195 = arith.constant 8 : i32
        %scan3A_196 = arith.addi %scan3A_194, %scan3A_195 : i32
        %scan3A_197 = arith.constant 1 : i32
        scf.for %scan3A_202 = %scan3A_194 to %scan3A_196 step %scan3A_197  : i32 {
          %mul3A_203 = arith.constant 16 : i32
          %mul3A_204 = arith.muli %scan3A_202, %mul3A_203 : i32
          %get3A = arith.index_cast %mul3A_204 : i32 to index
          %get3A_205 = tpu.vector_load %arg8[%get3A] {strides = array<i32>} : memref<128xi32, #tpu.memory_space<vmem>>, vector<16xi32>,
          %get3A_206 = vector.shape_cast %get3A_205 : vector<16xi32> to vector<16xi32>
          %sub3A_207 = vector.broadcast %mul3A_0 : i32 to vector<16xi32>
          %sub3A_208 = arith.subi %get3A_206, %sub3A_207 : vector<16xi32>
          %ge3A_209 = arith.constant 0 : i32
          %ge3A_210 = vector.broadcast %ge3A_209 : i32 to vector<16xi32>
          %ge3A_211 = arith.cmpi sge, %sub3A_208, %ge3A_210 : vector<16xi32>
          %lt3A_212 = arith.constant 5000 : i32
          %lt3A_213 = vector.broadcast %lt3A_212 : i32 to vector<16xi32>
          %lt3A_214 = arith.cmpi slt, %sub3A_208, %lt3A_213 : vector<16xi32>
          %and3A_215 = arith.andi %ge3A_211, %lt3A_214 : vector<16xi1>
          %jit3A_216 = arith.constant 5000 : i32
          %broadcast_in_dim3A = vector.broadcast %jit3A_216 : i32 to vector<16xi32>
          %select_n3A_217 = arith.select %and3A_215, %sub3A_208, %broadcast_in_dim3A : vector<16xi1>, vector<16xi32>
          %mul3A_218 = arith.constant 16 : i32
          %mul3A_219 = arith.muli %scan3A_202, %mul3A_218 : i32
          %swap3A = arith.index_cast %mul3A_219 : i32 to index
          %swap3A_220 = tpu.vector_load %arg8[%swap3A] {strides = array<i32>} : memref<128xi32, #tpu.memory_space<vmem>>, vector<16xi32>,
          %swap3A_221 = vector.shape_cast %swap3A_220 : vector<16xi32> to vector<16xi32>
          %swap3A_222 = vector.shape_cast %select_n3A_217 : vector<16xi32> to vector<16xi32>
          tpu.vector_store %arg8[%swap3A], %swap3A_222 {strides = array<i32>} : memref<128xi32, #tpu.memory_space<vmem>>, vector<16xi32>,
        }
        %scan3A_198 = arith.constant 8 : i32
        %dma_start3A_199 = arith.constant 0 : i32
        %dma_start3A_200 = arith.constant 0 : i32
        %dma_start3A_201 = tpu.memref_slice %arg16[%dma_start3A_199, %dma_start3A_200] : memref<5008x128xf32, #tpu.memory_space<vmem_shared>> -> memref<5008x128xf32, #tpu.memory_space<vmem_shared>>
        tpu.enqueue_indirect_dma source(%arg12 : memref<128x128xf32, #tpu.memory_space<vmem>>) target(%dma_start3A_201 : memref<5008x128xf32, #tpu.memory_space<vmem_shared>>) offsets(%arg8 : memref<128xi32, #tpu.memory_space<vmem>>) semaphore(%arg22 : memref<!tpu.dma_semaphore, #tpu.memory_space<semaphore_mem>>) {add = true}
      } else {
      }
      %ge3A = arith.constant 3 : i32
      %ge3A_104 = arith.cmpi sge, %add3A_99, %ge3A : i32
      %sub3A = arith.constant 3 : i32
      %sub3A_105 = arith.subi %add3A_99, %sub3A : i32
      %lt3A_106 = arith.cmpi slt, %sub3A_105, %select_n3A : i32
      %and3A = arith.andi %ge3A_104, %lt3A_106 : i1
      %convert_element_type3A_107 = arith.extui %and3A : i1 to i32
      %cond3A_108 = arith.constant 0 : i32
      %cond3A_109 = arith.cmpi ne, %convert_element_type3A_107, %cond3A_108 : i32
      scf.if %cond3A_109 {
        %dma_wait3A = arith.constant 0 : i32
        %dma_wait3A_185 = arith.constant 0 : i32
        %dma_wait3A_186 = tpu.memref_slice %arg16[%dma_wait3A, %dma_wait3A_185] : memref<5008x128xf32, #tpu.memory_space<vmem_shared>> -> memref<5008x128xf32, #tpu.memory_space<vmem_shared>>
        tpu.wait_indirect_dma semaphore(%arg23 : memref<!tpu.dma_semaphore, #tpu.memory_space<semaphore_mem>>) src(%arg13 : memref<128x128xf32, #tpu.memory_space<vmem>>) dst(%dma_wait3A_186 : memref<5008x128xf32, #tpu.memory_space<vmem_shared>>)
      } else {
      }
      %add3A_110 = arith.constant 1 : i32
      %add3A_111 = arith.addi %add3A_99, %add3A_110 : i32
      %lt3A_112 = arith.cmpi slt, %add3A_111, %select_n3A : i32
      %convert_element_type3A_113 = arith.extui %lt3A_112 : i1 to i32
      %cond3A_114 = arith.constant 0 : i32
      %cond3A_115 = arith.cmpi ne, %convert_element_type3A_113, %cond3A_114 : i32
      scf.if %cond3A_115 {
        %add3A_185 = arith.constant 1 : i32
        %add3A_186 = arith.addi %add3A_99, %add3A_185 : i32
        %mul3A_187 = arith.constant 16 : i32
        %mul3A_188 = arith.muli %add3A_186, %mul3A_187 : i32
        %add3A_189 = arith.addi %arg1, %mul3A_188 : i32
        %mul3A_190 = arith.constant 128 : i32
        %mul3A_191 = arith.muli %add3A_189, %mul3A_190 : i32
        %multiple_of3A_192 = tpu.assume_multiple %mul3A_191, 128 : i32
        %dma_start3A_193 = tpu.memref_slice %arg4[%multiple_of3A_192] : memref<160000xi32, #tpu.memory_space<hbm>> -> memref<128xi32, #tpu.memory_space<hbm>>
        %dma_start3A_194 = tpu.memref_slice %arg4[%multiple_of3A_192] : memref<160000xi32, #tpu.memory_space<hbm>> -> memref<128xi32, #tpu.memory_space<hbm>>
        tpu.enqueue_dma source(%dma_start3A_194 : memref<128xi32, #tpu.memory_space<hbm>>) target(%arg9 : memref<128xi32, #tpu.memory_space<vmem>>) target_semaphore(%arg27 : memref<!tpu.dma_semaphore, #tpu.memory_space<semaphore_mem>>)
        %add3A_195 = arith.constant 1 : i32
        %add3A_196 = arith.addi %add3A_99, %add3A_195 : i32
        %mul3A_197 = arith.constant 128 : i32
        %mul3A_198 = arith.muli %add3A_196, %mul3A_197 : i32
        %multiple_of3A_199 = tpu.assume_multiple %mul3A_198, 8 : i32
        %dma_start3A_200 = tpu.memref_slice %arg7[%multiple_of3A_199] : memref<10112xi32, #tpu.memory_space<vmem>> -> memref<128xi32, #tpu.memory_space<vmem>>
        %dma_start3A_201 = arith.constant 0 : i32
        %dma_start3A_202 = arith.constant 0 : i32
        %dma_start3A_203 = tpu.memref_slice %arg2[%dma_start3A_201, %dma_start3A_202] : memref<20000x128xf32, #tpu.memory_space<hbm>> -> memref<20000x128xf32, #tpu.memory_space<hbm>>
        tpu.enqueue_indirect_dma source(%dma_start3A_203 : memref<20000x128xf32, #tpu.memory_space<hbm>>) target(%arg13 : memref<128x128xf32, #tpu.memory_space<vmem>>) offsets(%dma_start3A_200 : memref<128xi32, #tpu.memory_space<vmem>>) semaphore(%arg19 : memref<!tpu.dma_semaphore, #tpu.memory_space<semaphore_mem>>)
      } else {
      }
      %mul3A_116 = arith.constant 4 : i32
      %mul3A_117 = arith.muli %mul3A_116, %scan3A_95 : i32
      %add3A_118 = arith.constant 1 : i32
      %add3A_119 = arith.addi %mul3A_117, %add3A_118 : i32
      %lt3A_120 = arith.cmpi slt, %add3A_119, %select_n3A : i32
      %convert_element_type3A_121 = arith.extui %lt3A_120 : i1 to i32
      %cond3A_122 = arith.constant 0 : i32
      %cond3A_123 = arith.cmpi ne, %convert_element_type3A_121, %cond3A_122 : i32
      scf.if %cond3A_123 {
        %dma_wait3A = arith.constant 0 : i32
        %dma_wait3A_185 = tpu.memref_slice %arg7[%dma_wait3A] : memref<10112xi32, #tpu.memory_space<vmem>> -> memref<128xi32, #tpu.memory_space<vmem>>
        %dma_wait3A_186 = arith.constant 0 : i32
        %dma_wait3A_187 = arith.constant 0 : i32
        %dma_wait3A_188 = tpu.memref_slice %arg2[%dma_wait3A_186, %dma_wait3A_187] : memref<20000x128xf32, #tpu.memory_space<hbm>> -> memref<20000x128xf32, #tpu.memory_space<hbm>>
        tpu.wait_indirect_dma semaphore(%arg19 : memref<!tpu.dma_semaphore, #tpu.memory_space<semaphore_mem>>) src(%dma_wait3A_188 : memref<20000x128xf32, #tpu.memory_space<hbm>>) dst(%arg13 : memref<128x128xf32, #tpu.memory_space<vmem>>)
        %dma_wait3A_189 = arith.constant 0 : i32
        %dma_wait3A_190 = tpu.memref_slice %arg4[%dma_wait3A_189] : memref<160000xi32, #tpu.memory_space<hbm>> -> memref<128xi32, #tpu.memory_space<hbm>>
        %dma_wait3A_191 = arith.constant 0 : i32
        %dma_wait3A_192 = tpu.memref_slice %arg4[%dma_wait3A_191] : memref<160000xi32, #tpu.memory_space<hbm>> -> memref<128xi32, #tpu.memory_space<hbm>>
        tpu.wait_dma2 semaphore(%arg27 : memref<!tpu.dma_semaphore, #tpu.memory_space<semaphore_mem>>) src(%dma_wait3A_192 : memref<128xi32, #tpu.memory_space<hbm>>) dst(%arg9 : memref<128xi32, #tpu.memory_space<vmem>>)
        %scan3A_193 = arith.constant 0 : i32
        %scan3A_194 = arith.constant 0 : i32
        %scan3A_195 = arith.constant 8 : i32
        %scan3A_196 = arith.addi %scan3A_194, %scan3A_195 : i32
        %scan3A_197 = arith.constant 1 : i32
        scf.for %scan3A_202 = %scan3A_194 to %scan3A_196 step %scan3A_197  : i32 {
          %mul3A_203 = arith.constant 16 : i32
          %mul3A_204 = arith.muli %scan3A_202, %mul3A_203 : i32
          %get3A = arith.index_cast %mul3A_204 : i32 to index
          %get3A_205 = tpu.vector_load %arg9[%get3A] {strides = array<i32>} : memref<128xi32, #tpu.memory_space<vmem>>, vector<16xi32>,
          %get3A_206 = vector.shape_cast %get3A_205 : vector<16xi32> to vector<16xi32>
          %sub3A_207 = vector.broadcast %mul3A_0 : i32 to vector<16xi32>
          %sub3A_208 = arith.subi %get3A_206, %sub3A_207 : vector<16xi32>
          %ge3A_209 = arith.constant 0 : i32
          %ge3A_210 = vector.broadcast %ge3A_209 : i32 to vector<16xi32>
          %ge3A_211 = arith.cmpi sge, %sub3A_208, %ge3A_210 : vector<16xi32>
          %lt3A_212 = arith.constant 5000 : i32
          %lt3A_213 = vector.broadcast %lt3A_212 : i32 to vector<16xi32>
          %lt3A_214 = arith.cmpi slt, %sub3A_208, %lt3A_213 : vector<16xi32>
          %and3A_215 = arith.andi %ge3A_211, %lt3A_214 : vector<16xi1>
          %jit3A_216 = arith.constant 5000 : i32
          %broadcast_in_dim3A = vector.broadcast %jit3A_216 : i32 to vector<16xi32>
          %select_n3A_217 = arith.select %and3A_215, %sub3A_208, %broadcast_in_dim3A : vector<16xi1>, vector<16xi32>
          %mul3A_218 = arith.constant 16 : i32
          %mul3A_219 = arith.muli %scan3A_202, %mul3A_218 : i32
          %swap3A = arith.index_cast %mul3A_219 : i32 to index
          %swap3A_220 = tpu.vector_load %arg9[%swap3A] {strides = array<i32>} : memref<128xi32, #tpu.memory_space<vmem>>, vector<16xi32>,
          %swap3A_221 = vector.shape_cast %swap3A_220 : vector<16xi32> to vector<16xi32>
          %swap3A_222 = vector.shape_cast %select_n3A_217 : vector<16xi32> to vector<16xi32>
          tpu.vector_store %arg9[%swap3A], %swap3A_222 {strides = array<i32>} : memref<128xi32, #tpu.memory_space<vmem>>, vector<16xi32>,
        }
        %scan3A_198 = arith.constant 8 : i32
        %dma_start3A_199 = arith.constant 0 : i32
        %dma_start3A_200 = arith.constant 0 : i32
        %dma_start3A_201 = tpu.memref_slice %arg16[%dma_start3A_199, %dma_start3A_200] : memref<5008x128xf32, #tpu.memory_space<vmem_shared>> -> memref<5008x128xf32, #tpu.memory_space<vmem_shared>>
        tpu.enqueue_indirect_dma source(%arg13 : memref<128x128xf32, #tpu.memory_space<vmem>>) target(%dma_start3A_201 : memref<5008x128xf32, #tpu.memory_space<vmem_shared>>) offsets(%arg9 : memref<128xi32, #tpu.memory_space<vmem>>) semaphore(%arg23 : memref<!tpu.dma_semaphore, #tpu.memory_space<semaphore_mem>>) {add = true}
      } else {
      }
      %ge3A_124 = arith.constant 3 : i32
      %ge3A_125 = arith.cmpi sge, %add3A_119, %ge3A_124 : i32
      %sub3A_126 = arith.constant 3 : i32
      %sub3A_127 = arith.subi %add3A_119, %sub3A_126 : i32
      %lt3A_128 = arith.cmpi slt, %sub3A_127, %select_n3A : i32
      %and3A_129 = arith.andi %ge3A_125, %lt3A_128 : i1
      %convert_element_type3A_130 = arith.extui %and3A_129 : i1 to i32
      %cond3A_131 = arith.constant 0 : i32
      %cond3A_132 = arith.cmpi ne, %convert_element_type3A_130, %cond3A_131 : i32
      scf.if %cond3A_132 {
        %dma_wait3A = arith.constant 0 : i32
        %dma_wait3A_185 = arith.constant 0 : i32
        %dma_wait3A_186 = tpu.memref_slice %arg16[%dma_wait3A, %dma_wait3A_185] : memref<5008x128xf32, #tpu.memory_space<vmem_shared>> -> memref<5008x128xf32, #tpu.memory_space<vmem_shared>>
        tpu.wait_indirect_dma semaphore(%arg24 : memref<!tpu.dma_semaphore, #tpu.memory_space<semaphore_mem>>) src(%arg14 : memref<128x128xf32, #tpu.memory_space<vmem>>) dst(%dma_wait3A_186 : memref<5008x128xf32, #tpu.memory_space<vmem_shared>>)
      } else {
      }
      %add3A_133 = arith.constant 1 : i32
      %add3A_134 = arith.addi %add3A_119, %add3A_133 : i32
      %lt3A_135 = arith.cmpi slt, %add3A_134, %select_n3A : i32
      %convert_element_type3A_136 = arith.extui %lt3A_135 : i1 to i32
      %cond3A_137 = arith.constant 0 : i32
      %cond3A_138 = arith.cmpi ne, %convert_element_type3A_136, %cond3A_137 : i32
      scf.if %cond3A_138 {
        %add3A_185 = arith.constant 1 : i32
        %add3A_186 = arith.addi %add3A_119, %add3A_185 : i32
        %mul3A_187 = arith.constant 16 : i32
        %mul3A_188 = arith.muli %add3A_186, %mul3A_187 : i32
        %add3A_189 = arith.addi %arg1, %mul3A_188 : i32
        %mul3A_190 = arith.constant 128 : i32
        %mul3A_191 = arith.muli %add3A_189, %mul3A_190 : i32
        %multiple_of3A_192 = tpu.assume_multiple %mul3A_191, 128 : i32
        %dma_start3A_193 = tpu.memref_slice %arg4[%multiple_of3A_192] : memref<160000xi32, #tpu.memory_space<hbm>> -> memref<128xi32, #tpu.memory_space<hbm>>
        %dma_start3A_194 = tpu.memref_slice %arg4[%multiple_of3A_192] : memref<160000xi32, #tpu.memory_space<hbm>> -> memref<128xi32, #tpu.memory_space<hbm>>
        tpu.enqueue_dma source(%dma_start3A_194 : memref<128xi32, #tpu.memory_space<hbm>>) target(%arg10 : memref<128xi32, #tpu.memory_space<vmem>>) target_semaphore(%arg28 : memref<!tpu.dma_semaphore, #tpu.memory_space<semaphore_mem>>)
        %add3A_195 = arith.constant 1 : i32
        %add3A_196 = arith.addi %add3A_119, %add3A_195 : i32
        %mul3A_197 = arith.constant 128 : i32
        %mul3A_198 = arith.muli %add3A_196, %mul3A_197 : i32
        %multiple_of3A_199 = tpu.assume_multiple %mul3A_198, 8 : i32
        %dma_start3A_200 = tpu.memref_slice %arg7[%multiple_of3A_199] : memref<10112xi32, #tpu.memory_space<vmem>> -> memref<128xi32, #tpu.memory_space<vmem>>
        %dma_start3A_201 = arith.constant 0 : i32
        %dma_start3A_202 = arith.constant 0 : i32
        %dma_start3A_203 = tpu.memref_slice %arg2[%dma_start3A_201, %dma_start3A_202] : memref<20000x128xf32, #tpu.memory_space<hbm>> -> memref<20000x128xf32, #tpu.memory_space<hbm>>
        tpu.enqueue_indirect_dma source(%dma_start3A_203 : memref<20000x128xf32, #tpu.memory_space<hbm>>) target(%arg14 : memref<128x128xf32, #tpu.memory_space<vmem>>) offsets(%dma_start3A_200 : memref<128xi32, #tpu.memory_space<vmem>>) semaphore(%arg20 : memref<!tpu.dma_semaphore, #tpu.memory_space<semaphore_mem>>)
      } else {
      }
      %mul3A_139 = arith.constant 4 : i32
      %mul3A_140 = arith.muli %mul3A_139, %scan3A_95 : i32
      %add3A_141 = arith.constant 2 : i32
      %add3A_142 = arith.addi %mul3A_140, %add3A_141 : i32
      %lt3A_143 = arith.cmpi slt, %add3A_142, %select_n3A : i32
      %convert_element_type3A_144 = arith.extui %lt3A_143 : i1 to i32
      %cond3A_145 = arith.constant 0 : i32
      %cond3A_146 = arith.cmpi ne, %convert_element_type3A_144, %cond3A_145 : i32
      scf.if %cond3A_146 {
        %dma_wait3A = arith.constant 0 : i32
        %dma_wait3A_185 = tpu.memref_slice %arg7[%dma_wait3A] : memref<10112xi32, #tpu.memory_space<vmem>> -> memref<128xi32, #tpu.memory_space<vmem>>
        %dma_wait3A_186 = arith.constant 0 : i32
        %dma_wait3A_187 = arith.constant 0 : i32
        %dma_wait3A_188 = tpu.memref_slice %arg2[%dma_wait3A_186, %dma_wait3A_187] : memref<20000x128xf32, #tpu.memory_space<hbm>> -> memref<20000x128xf32, #tpu.memory_space<hbm>>
        tpu.wait_indirect_dma semaphore(%arg20 : memref<!tpu.dma_semaphore, #tpu.memory_space<semaphore_mem>>) src(%dma_wait3A_188 : memref<20000x128xf32, #tpu.memory_space<hbm>>) dst(%arg14 : memref<128x128xf32, #tpu.memory_space<vmem>>)
        %dma_wait3A_189 = arith.constant 0 : i32
        %dma_wait3A_190 = tpu.memref_slice %arg4[%dma_wait3A_189] : memref<160000xi32, #tpu.memory_space<hbm>> -> memref<128xi32, #tpu.memory_space<hbm>>
        %dma_wait3A_191 = arith.constant 0 : i32
        %dma_wait3A_192 = tpu.memref_slice %arg4[%dma_wait3A_191] : memref<160000xi32, #tpu.memory_space<hbm>> -> memref<128xi32, #tpu.memory_space<hbm>>
        tpu.wait_dma2 semaphore(%arg28 : memref<!tpu.dma_semaphore, #tpu.memory_space<semaphore_mem>>) src(%dma_wait3A_192 : memref<128xi32, #tpu.memory_space<hbm>>) dst(%arg10 : memref<128xi32, #tpu.memory_space<vmem>>)
        %scan3A_193 = arith.constant 0 : i32
        %scan3A_194 = arith.constant 0 : i32
        %scan3A_195 = arith.constant 8 : i32
        %scan3A_196 = arith.addi %scan3A_194, %scan3A_195 : i32
        %scan3A_197 = arith.constant 1 : i32
        scf.for %scan3A_202 = %scan3A_194 to %scan3A_196 step %scan3A_197  : i32 {
          %mul3A_203 = arith.constant 16 : i32
          %mul3A_204 = arith.muli %scan3A_202, %mul3A_203 : i32
          %get3A = arith.index_cast %mul3A_204 : i32 to index
          %get3A_205 = tpu.vector_load %arg10[%get3A] {strides = array<i32>} : memref<128xi32, #tpu.memory_space<vmem>>, vector<16xi32>,
          %get3A_206 = vector.shape_cast %get3A_205 : vector<16xi32> to vector<16xi32>
          %sub3A_207 = vector.broadcast %mul3A_0 : i32 to vector<16xi32>
          %sub3A_208 = arith.subi %get3A_206, %sub3A_207 : vector<16xi32>
          %ge3A_209 = arith.constant 0 : i32
          %ge3A_210 = vector.broadcast %ge3A_209 : i32 to vector<16xi32>
          %ge3A_211 = arith.cmpi sge, %sub3A_208, %ge3A_210 : vector<16xi32>
          %lt3A_212 = arith.constant 5000 : i32
          %lt3A_213 = vector.broadcast %lt3A_212 : i32 to vector<16xi32>
          %lt3A_214 = arith.cmpi slt, %sub3A_208, %lt3A_213 : vector<16xi32>
          %and3A_215 = arith.andi %ge3A_211, %lt3A_214 : vector<16xi1>
          %jit3A_216 = arith.constant 5000 : i32
          %broadcast_in_dim3A = vector.broadcast %jit3A_216 : i32 to vector<16xi32>
          %select_n3A_217 = arith.select %and3A_215, %sub3A_208, %broadcast_in_dim3A : vector<16xi1>, vector<16xi32>
          %mul3A_218 = arith.constant 16 : i32
          %mul3A_219 = arith.muli %scan3A_202, %mul3A_218 : i32
          %swap3A = arith.index_cast %mul3A_219 : i32 to index
          %swap3A_220 = tpu.vector_load %arg10[%swap3A] {strides = array<i32>} : memref<128xi32, #tpu.memory_space<vmem>>, vector<16xi32>,
          %swap3A_221 = vector.shape_cast %swap3A_220 : vector<16xi32> to vector<16xi32>
          %swap3A_222 = vector.shape_cast %select_n3A_217 : vector<16xi32> to vector<16xi32>
          tpu.vector_store %arg10[%swap3A], %swap3A_222 {strides = array<i32>} : memref<128xi32, #tpu.memory_space<vmem>>, vector<16xi32>,
        }
        %scan3A_198 = arith.constant 8 : i32
        %dma_start3A_199 = arith.constant 0 : i32
        %dma_start3A_200 = arith.constant 0 : i32
        %dma_start3A_201 = tpu.memref_slice %arg16[%dma_start3A_199, %dma_start3A_200] : memref<5008x128xf32, #tpu.memory_space<vmem_shared>> -> memref<5008x128xf32, #tpu.memory_space<vmem_shared>>
        tpu.enqueue_indirect_dma source(%arg14 : memref<128x128xf32, #tpu.memory_space<vmem>>) target(%dma_start3A_201 : memref<5008x128xf32, #tpu.memory_space<vmem_shared>>) offsets(%arg10 : memref<128xi32, #tpu.memory_space<vmem>>) semaphore(%arg24 : memref<!tpu.dma_semaphore, #tpu.memory_space<semaphore_mem>>) {add = true}
      } else {
      }
      %ge3A_147 = arith.constant 3 : i32
      %ge3A_148 = arith.cmpi sge, %add3A_142, %ge3A_147 : i32
      %sub3A_149 = arith.constant 3 : i32
      %sub3A_150 = arith.subi %add3A_142, %sub3A_149 : i32
      %lt3A_151 = arith.cmpi slt, %sub3A_150, %select_n3A : i32
      %and3A_152 = arith.andi %ge3A_148, %lt3A_151 : i1
      %convert_element_type3A_153 = arith.extui %and3A_152 : i1 to i32
      %cond3A_154 = arith.constant 0 : i32
      %cond3A_155 = arith.cmpi ne, %convert_element_type3A_153, %cond3A_154 : i32
      scf.if %cond3A_155 {
        %dma_wait3A = arith.constant 0 : i32
        %dma_wait3A_185 = arith.constant 0 : i32
        %dma_wait3A_186 = tpu.memref_slice %arg16[%dma_wait3A, %dma_wait3A_185] : memref<5008x128xf32, #tpu.memory_space<vmem_shared>> -> memref<5008x128xf32, #tpu.memory_space<vmem_shared>>
        tpu.wait_indirect_dma semaphore(%arg25 : memref<!tpu.dma_semaphore, #tpu.memory_space<semaphore_mem>>) src(%arg15 : memref<128x128xf32, #tpu.memory_space<vmem>>) dst(%dma_wait3A_186 : memref<5008x128xf32, #tpu.memory_space<vmem_shared>>)
      } else {
      }
      %add3A_156 = arith.constant 1 : i32
      %add3A_157 = arith.addi %add3A_142, %add3A_156 : i32
      %lt3A_158 = arith.cmpi slt, %add3A_157, %select_n3A : i32
      %convert_element_type3A_159 = arith.extui %lt3A_158 : i1 to i32
      %cond3A_160 = arith.constant 0 : i32
      %cond3A_161 = arith.cmpi ne, %convert_element_type3A_159, %cond3A_160 : i32
      scf.if %cond3A_161 {
        %add3A_185 = arith.constant 1 : i32
        %add3A_186 = arith.addi %add3A_142, %add3A_185 : i32
        %mul3A_187 = arith.constant 16 : i32
        %mul3A_188 = arith.muli %add3A_186, %mul3A_187 : i32
        %add3A_189 = arith.addi %arg1, %mul3A_188 : i32
        %mul3A_190 = arith.constant 128 : i32
        %mul3A_191 = arith.muli %add3A_189, %mul3A_190 : i32
        %multiple_of3A_192 = tpu.assume_multiple %mul3A_191, 128 : i32
        %dma_start3A_193 = tpu.memref_slice %arg4[%multiple_of3A_192] : memref<160000xi32, #tpu.memory_space<hbm>> -> memref<128xi32, #tpu.memory_space<hbm>>
        %dma_start3A_194 = tpu.memref_slice %arg4[%multiple_of3A_192] : memref<160000xi32, #tpu.memory_space<hbm>> -> memref<128xi32, #tpu.memory_space<hbm>>
        tpu.enqueue_dma source(%dma_start3A_194 : memref<128xi32, #tpu.memory_space<hbm>>) target(%arg11 : memref<128xi32, #tpu.memory_space<vmem>>) target_semaphore(%arg29 : memref<!tpu.dma_semaphore, #tpu.memory_space<semaphore_mem>>)
        %add3A_195 = arith.constant 1 : i32
        %add3A_196 = arith.addi %add3A_142, %add3A_195 : i32
        %mul3A_197 = arith.constant 128 : i32
        %mul3A_198 = arith.muli %add3A_196, %mul3A_197 : i32
        %multiple_of3A_199 = tpu.assume_multiple %mul3A_198, 8 : i32
        %dma_start3A_200 = tpu.memref_slice %arg7[%multiple_of3A_199] : memref<10112xi32, #tpu.memory_space<vmem>> -> memref<128xi32, #tpu.memory_space<vmem>>
        %dma_start3A_201 = arith.constant 0 : i32
        %dma_start3A_202 = arith.constant 0 : i32
        %dma_start3A_203 = tpu.memref_slice %arg2[%dma_start3A_201, %dma_start3A_202] : memref<20000x128xf32, #tpu.memory_space<hbm>> -> memref<20000x128xf32, #tpu.memory_space<hbm>>
        tpu.enqueue_indirect_dma source(%dma_start3A_203 : memref<20000x128xf32, #tpu.memory_space<hbm>>) target(%arg15 : memref<128x128xf32, #tpu.memory_space<vmem>>) offsets(%dma_start3A_200 : memref<128xi32, #tpu.memory_space<vmem>>) semaphore(%arg21 : memref<!tpu.dma_semaphore, #tpu.memory_space<semaphore_mem>>)
      } else {
      }
      %mul3A_162 = arith.constant 4 : i32
      %mul3A_163 = arith.muli %mul3A_162, %scan3A_95 : i32
      %add3A_164 = arith.constant 3 : i32
      %add3A_165 = arith.addi %mul3A_163, %add3A_164 : i32
      %lt3A_166 = arith.cmpi slt, %add3A_165, %select_n3A : i32
      %convert_element_type3A_167 = arith.extui %lt3A_166 : i1 to i32
      %cond3A_168 = arith.constant 0 : i32
      %cond3A_169 = arith.cmpi ne, %convert_element_type3A_167, %cond3A_168 : i32
      scf.if %cond3A_169 {
        %dma_wait3A = arith.constant 0 : i32
        %dma_wait3A_185 = tpu.memref_slice %arg7[%dma_wait3A] : memref<10112xi32, #tpu.memory_space<vmem>> -> memref<128xi32, #tpu.memory_space<vmem>>
        %dma_wait3A_186 = arith.constant 0 : i32
        %dma_wait3A_187 = arith.constant 0 : i32
        %dma_wait3A_188 = tpu.memref_slice %arg2[%dma_wait3A_186, %dma_wait3A_187] : memref<20000x128xf32, #tpu.memory_space<hbm>> -> memref<20000x128xf32, #tpu.memory_space<hbm>>
        tpu.wait_indirect_dma semaphore(%arg21 : memref<!tpu.dma_semaphore, #tpu.memory_space<semaphore_mem>>) src(%dma_wait3A_188 : memref<20000x128xf32, #tpu.memory_space<hbm>>) dst(%arg15 : memref<128x128xf32, #tpu.memory_space<vmem>>)
        %dma_wait3A_189 = arith.constant 0 : i32
        %dma_wait3A_190 = tpu.memref_slice %arg4[%dma_wait3A_189] : memref<160000xi32, #tpu.memory_space<hbm>> -> memref<128xi32, #tpu.memory_space<hbm>>
        %dma_wait3A_191 = arith.constant 0 : i32
        %dma_wait3A_192 = tpu.memref_slice %arg4[%dma_wait3A_191] : memref<160000xi32, #tpu.memory_space<hbm>> -> memref<128xi32, #tpu.memory_space<hbm>>
        tpu.wait_dma2 semaphore(%arg29 : memref<!tpu.dma_semaphore, #tpu.memory_space<semaphore_mem>>) src(%dma_wait3A_192 : memref<128xi32, #tpu.memory_space<hbm>>) dst(%arg11 : memref<128xi32, #tpu.memory_space<vmem>>)
        %scan3A_193 = arith.constant 0 : i32
        %scan3A_194 = arith.constant 0 : i32
        %scan3A_195 = arith.constant 8 : i32
        %scan3A_196 = arith.addi %scan3A_194, %scan3A_195 : i32
        %scan3A_197 = arith.constant 1 : i32
        scf.for %scan3A_202 = %scan3A_194 to %scan3A_196 step %scan3A_197  : i32 {
          %mul3A_203 = arith.constant 16 : i32
          %mul3A_204 = arith.muli %scan3A_202, %mul3A_203 : i32
          %get3A = arith.index_cast %mul3A_204 : i32 to index
          %get3A_205 = tpu.vector_load %arg11[%get3A] {strides = array<i32>} : memref<128xi32, #tpu.memory_space<vmem>>, vector<16xi32>,
          %get3A_206 = vector.shape_cast %get3A_205 : vector<16xi32> to vector<16xi32>
          %sub3A_207 = vector.broadcast %mul3A_0 : i32 to vector<16xi32>
          %sub3A_208 = arith.subi %get3A_206, %sub3A_207 : vector<16xi32>
          %ge3A_209 = arith.constant 0 : i32
          %ge3A_210 = vector.broadcast %ge3A_209 : i32 to vector<16xi32>
          %ge3A_211 = arith.cmpi sge, %sub3A_208, %ge3A_210 : vector<16xi32>
          %lt3A_212 = arith.constant 5000 : i32
          %lt3A_213 = vector.broadcast %lt3A_212 : i32 to vector<16xi32>
          %lt3A_214 = arith.cmpi slt, %sub3A_208, %lt3A_213 : vector<16xi32>
          %and3A_215 = arith.andi %ge3A_211, %lt3A_214 : vector<16xi1>
          %jit3A_216 = arith.constant 5000 : i32
          %broadcast_in_dim3A = vector.broadcast %jit3A_216 : i32 to vector<16xi32>
          %select_n3A_217 = arith.select %and3A_215, %sub3A_208, %broadcast_in_dim3A : vector<16xi1>, vector<16xi32>
          %mul3A_218 = arith.constant 16 : i32
          %mul3A_219 = arith.muli %scan3A_202, %mul3A_218 : i32
          %swap3A = arith.index_cast %mul3A_219 : i32 to index
          %swap3A_220 = tpu.vector_load %arg11[%swap3A] {strides = array<i32>} : memref<128xi32, #tpu.memory_space<vmem>>, vector<16xi32>,
          %swap3A_221 = vector.shape_cast %swap3A_220 : vector<16xi32> to vector<16xi32>
          %swap3A_222 = vector.shape_cast %select_n3A_217 : vector<16xi32> to vector<16xi32>
          tpu.vector_store %arg11[%swap3A], %swap3A_222 {strides = array<i32>} : memref<128xi32, #tpu.memory_space<vmem>>, vector<16xi32>,
        }
        %scan3A_198 = arith.constant 8 : i32
        %dma_start3A_199 = arith.constant 0 : i32
        %dma_start3A_200 = arith.constant 0 : i32
        %dma_start3A_201 = tpu.memref_slice %arg16[%dma_start3A_199, %dma_start3A_200] : memref<5008x128xf32, #tpu.memory_space<vmem_shared>> -> memref<5008x128xf32, #tpu.memory_space<vmem_shared>>
        tpu.enqueue_indirect_dma source(%arg15 : memref<128x128xf32, #tpu.memory_space<vmem>>) target(%dma_start3A_201 : memref<5008x128xf32, #tpu.memory_space<vmem_shared>>) offsets(%arg11 : memref<128xi32, #tpu.memory_space<vmem>>) semaphore(%arg25 : memref<!tpu.dma_semaphore, #tpu.memory_space<semaphore_mem>>) {add = true}
      } else {
      }
      %ge3A_170 = arith.constant 3 : i32
      %ge3A_171 = arith.cmpi sge, %add3A_165, %ge3A_170 : i32
      %sub3A_172 = arith.constant 3 : i32
      %sub3A_173 = arith.subi %add3A_165, %sub3A_172 : i32
      %lt3A_174 = arith.cmpi slt, %sub3A_173, %select_n3A : i32
      %and3A_175 = arith.andi %ge3A_171, %lt3A_174 : i1
      %convert_element_type3A_176 = arith.extui %and3A_175 : i1 to i32
      %cond3A_177 = arith.constant 0 : i32
      %cond3A_178 = arith.cmpi ne, %convert_element_type3A_176, %cond3A_177 : i32
      scf.if %cond3A_178 {
        %dma_wait3A = arith.constant 0 : i32
        %dma_wait3A_185 = arith.constant 0 : i32
        %dma_wait3A_186 = tpu.memref_slice %arg16[%dma_wait3A, %dma_wait3A_185] : memref<5008x128xf32, #tpu.memory_space<vmem_shared>> -> memref<5008x128xf32, #tpu.memory_space<vmem_shared>>
        tpu.wait_indirect_dma semaphore(%arg22 : memref<!tpu.dma_semaphore, #tpu.memory_space<semaphore_mem>>) src(%arg12 : memref<128x128xf32, #tpu.memory_space<vmem>>) dst(%dma_wait3A_186 : memref<5008x128xf32, #tpu.memory_space<vmem_shared>>)
      } else {
      }
      %add3A_179 = arith.constant 1 : i32
      %add3A_180 = arith.addi %add3A_165, %add3A_179 : i32
      %lt3A_181 = arith.cmpi slt, %add3A_180, %select_n3A : i32
      %convert_element_type3A_182 = arith.extui %lt3A_181 : i1 to i32
      %cond3A_183 = arith.constant 0 : i32
      %cond3A_184 = arith.cmpi ne, %convert_element_type3A_182, %cond3A_183 : i32
      scf.if %cond3A_184 {
        %add3A_185 = arith.constant 1 : i32
        %add3A_186 = arith.addi %add3A_165, %add3A_185 : i32
        %mul3A_187 = arith.constant 16 : i32
        %mul3A_188 = arith.muli %add3A_186, %mul3A_187 : i32
        %add3A_189 = arith.addi %arg1, %mul3A_188 : i32
        %mul3A_190 = arith.constant 128 : i32
        %mul3A_191 = arith.muli %add3A_189, %mul3A_190 : i32
        %multiple_of3A_192 = tpu.assume_multiple %mul3A_191, 128 : i32
        %dma_start3A_193 = tpu.memref_slice %arg4[%multiple_of3A_192] : memref<160000xi32, #tpu.memory_space<hbm>> -> memref<128xi32, #tpu.memory_space<hbm>>
        %dma_start3A_194 = tpu.memref_slice %arg4[%multiple_of3A_192] : memref<160000xi32, #tpu.memory_space<hbm>> -> memref<128xi32, #tpu.memory_space<hbm>>
        tpu.enqueue_dma source(%dma_start3A_194 : memref<128xi32, #tpu.memory_space<hbm>>) target(%arg8 : memref<128xi32, #tpu.memory_space<vmem>>) target_semaphore(%arg26 : memref<!tpu.dma_semaphore, #tpu.memory_space<semaphore_mem>>)
        %add3A_195 = arith.constant 1 : i32
        %add3A_196 = arith.addi %add3A_165, %add3A_195 : i32
        %mul3A_197 = arith.constant 128 : i32
        %mul3A_198 = arith.muli %add3A_196, %mul3A_197 : i32
        %multiple_of3A_199 = tpu.assume_multiple %mul3A_198, 8 : i32
        %dma_start3A_200 = tpu.memref_slice %arg7[%multiple_of3A_199] : memref<10112xi32, #tpu.memory_space<vmem>> -> memref<128xi32, #tpu.memory_space<vmem>>
        %dma_start3A_201 = arith.constant 0 : i32
        %dma_start3A_202 = arith.constant 0 : i32
        %dma_start3A_203 = tpu.memref_slice %arg2[%dma_start3A_201, %dma_start3A_202] : memref<20000x128xf32, #tpu.memory_space<hbm>> -> memref<20000x128xf32, #tpu.memory_space<hbm>>
        tpu.enqueue_indirect_dma source(%dma_start3A_203 : memref<20000x128xf32, #tpu.memory_space<hbm>>) target(%arg12 : memref<128x128xf32, #tpu.memory_space<vmem>>) offsets(%dma_start3A_200 : memref<128xi32, #tpu.memory_space<vmem>>) semaphore(%arg18 : memref<!tpu.dma_semaphore, #tpu.memory_space<semaphore_mem>>)
      } else {
      }
    }
    %scan3A_40 = arith.constant 21 : i32
    %barrier3A_41 = arith.constant 0 : index
    tpu.barrier barrier_id(%barrier3A_41)
    %add3A_42 = arith.addi %mul3A_0, %mul3A_23 : i32
    %run_scoped3A = arith.constant 0 : i32
    "tpu.region"() ({
      %run_scoped3A_95 = tpu.sem_alloc : memref<!tpu.dma_semaphore, #tpu.memory_space<semaphore_mem>>
      %dma_start3A_96 = arith.constant 0 : i32
      %dma_start3A_97 = tpu.memref_slice %arg6[%run_scoped3A, %add3A_42, %dma_start3A_96] : memref<2x10000x128xf32, #tpu.memory_space<hbm>> -> memref<1x312x128xf32, #tpu.memory_space<hbm>>
      %dma_start3A_98 = tpu.memref_squeeze %dma_start3A_97 : memref<1x312x128xf32, #tpu.memory_space<hbm>> -> memref<312x128xf32, #tpu.memory_space<hbm>>
      %dma_start3A_99 = arith.constant 0 : i32
      %dma_start3A_100 = tpu.memref_slice %arg16[%mul3A_23, %dma_start3A_99] : memref<5008x128xf32, #tpu.memory_space<vmem_shared>> -> memref<312x128xf32, #tpu.memory_space<vmem_shared>>
      tpu.enqueue_dma source(%dma_start3A_100 : memref<312x128xf32, #tpu.memory_space<vmem_shared>>) target(%dma_start3A_98 : memref<312x128xf32, #tpu.memory_space<hbm>>) target_semaphore(%run_scoped3A_95 : memref<!tpu.dma_semaphore, #tpu.memory_space<semaphore_mem>>)
      %dma_wait3A = arith.constant 0 : i32
      %dma_wait3A_101 = tpu.memref_slice %arg6[%run_scoped3A, %add3A_42, %dma_wait3A] : memref<2x10000x128xf32, #tpu.memory_space<hbm>> -> memref<1x312x128xf32, #tpu.memory_space<hbm>>
      %dma_wait3A_102 = tpu.memref_squeeze %dma_wait3A_101 : memref<1x312x128xf32, #tpu.memory_space<hbm>> -> memref<312x128xf32, #tpu.memory_space<hbm>>
      %dma_wait3A_103 = arith.constant 0 : i32
      %dma_wait3A_104 = tpu.memref_slice %arg16[%mul3A_23, %dma_wait3A_103] : memref<5008x128xf32, #tpu.memory_space<vmem_shared>> -> memref<312x128xf32, #tpu.memory_space<vmem_shared>>
      tpu.wait_dma2 semaphore(%run_scoped3A_95 : memref<!tpu.dma_semaphore, #tpu.memory_space<semaphore_mem>>) src(%dma_wait3A_104 : memref<312x128xf32, #tpu.memory_space<vmem_shared>>) dst(%dma_wait3A_102 : memref<312x128xf32, #tpu.memory_space<hbm>>)
      tpu.yield
    }) : () -> ()
    %eq3A_43 = arith.constant 15 : i32
    %eq3A_44 = arith.cmpi eq, %arg1, %eq3A_43 : i32
    %convert_element_type3A_45 = arith.extui %eq3A_44 : i1 to i32
    %cond3A_46 = arith.constant 0 : i32
    %cond3A_47 = arith.cmpi ne, %convert_element_type3A_45, %cond3A_46 : i32
    scf.if %cond3A_47 {
      %add3A_95 = arith.constant 4992 : i32
      %add3A_96 = arith.addi %mul3A_0, %add3A_95 : i32
      %run_scoped3A_97 = arith.constant 0 : i32
      "tpu.region"() ({
        %run_scoped3A_98 = tpu.sem_alloc : memref<!tpu.dma_semaphore, #tpu.memory_space<semaphore_mem>>
        %dma_start3A_99 = arith.constant 0 : i32
        %dma_start3A_100 = tpu.memref_slice %arg6[%run_scoped3A_97, %add3A_96, %dma_start3A_99] : memref<2x10000x128xf32, #tpu.memory_space<hbm>> -> memref<1x8x128xf32, #tpu.memory_space<hbm>>
        %dma_start3A_101 = tpu.memref_squeeze %dma_start3A_100 : memref<1x8x128xf32, #tpu.memory_space<hbm>> -> memref<8x128xf32, #tpu.memory_space<hbm>>
        %dma_start3A_102 = arith.constant 4992 : i32
        %dma_start3A_103 = arith.constant 0 : i32
        %dma_start3A_104 = tpu.memref_slice %arg16[%dma_start3A_102, %dma_start3A_103] : memref<5008x128xf32, #tpu.memory_space<vmem_shared>> -> memref<8x128xf32, #tpu.memory_space<vmem_shared>>
        tpu.enqueue_dma source(%dma_start3A_104 : memref<8x128xf32, #tpu.memory_space<vmem_shared>>) target(%dma_start3A_101 : memref<8x128xf32, #tpu.memory_space<hbm>>) target_semaphore(%run_scoped3A_98 : memref<!tpu.dma_semaphore, #tpu.memory_space<semaphore_mem>>)
        %dma_wait3A = arith.constant 0 : i32
        %dma_wait3A_105 = tpu.memref_slice %arg6[%run_scoped3A_97, %add3A_96, %dma_wait3A] : memref<2x10000x128xf32, #tpu.memory_space<hbm>> -> memref<1x8x128xf32, #tpu.memory_space<hbm>>
        %dma_wait3A_106 = tpu.memref_squeeze %dma_wait3A_105 : memref<1x8x128xf32, #tpu.memory_space<hbm>> -> memref<8x128xf32, #tpu.memory_space<hbm>>
        %dma_wait3A_107 = arith.constant 4992 : i32
        %dma_wait3A_108 = arith.constant 0 : i32
        %dma_wait3A_109 = tpu.memref_slice %arg16[%dma_wait3A_107, %dma_wait3A_108] : memref<5008x128xf32, #tpu.memory_space<vmem_shared>> -> memref<8x128xf32, #tpu.memory_space<vmem_shared>>
        tpu.wait_dma2 semaphore(%run_scoped3A_98 : memref<!tpu.dma_semaphore, #tpu.memory_space<semaphore_mem>>) src(%dma_wait3A_109 : memref<8x128xf32, #tpu.memory_space<vmem_shared>>) dst(%dma_wait3A_106 : memref<8x128xf32, #tpu.memory_space<hbm>>)
        tpu.yield
      }) : () -> ()
    } else {
    }
    %barrier3A_48 = arith.constant 0 : index
    tpu.barrier barrier_id(%barrier3A_48)
    %mul3A_49 = arith.constant 8 : i32
    %mul3A_50 = arith.muli %select_n3A, %mul3A_49 : i32
    %while3A_51 = arith.constant 0 : i32
    %while3A_52 = arith.constant 0 : i32
    %while3A_53 = arith.subi %mul3A_50, %while3A_52 : i32
    %while3A_54 = arith.addi %while3A_52, %while3A_53 : i32
    %while3A_55 = arith.constant 1 : i32
    %while3A_56 = arith.divsi %while3A_53, %while3A_55 : i32
    %while3A_57 = arith.muli %while3A_56, %while3A_55 : i32
    %while3A_58 = arith.addi %while3A_52, %while3A_57 : i32
    %while3A_59 = arith.constant 1 : i32
    scf.for %while3A_95 = %while3A_52 to %while3A_58 step %while3A_59  : i32 {
      %mul3A_96 = arith.constant 16 : i32
      %mul3A_97 = arith.muli %while3A_95, %mul3A_96 : i32
      %get3A = arith.index_cast %mul3A_97 : i32 to index
      %get3A_98 = tpu.vector_load %arg7[%get3A] {strides = array<i32>} : memref<10112xi32, #tpu.memory_space<vmem>>, vector<16xi32>,
      %get3A_99 = vector.shape_cast %get3A_98 : vector<16xi32> to vector<16xi32>
      %add3A_100 = arith.constant 1 : i32
      %add3A_101 = vector.broadcast %add3A_100 : i32 to vector<16xi32>
      %add3A_102 = arith.addi %get3A_99, %add3A_101 : vector<16xi32>
      %mul3A_103 = arith.constant 16 : i32
      %mul3A_104 = arith.muli %while3A_95, %mul3A_103 : i32
      %swap3A = arith.index_cast %mul3A_104 : i32 to index
      %swap3A_105 = tpu.vector_load %arg7[%swap3A] {strides = array<i32>} : memref<10112xi32, #tpu.memory_space<vmem>>, vector<16xi32>,
      %swap3A_106 = vector.shape_cast %swap3A_105 : vector<16xi32> to vector<16xi32>
      %swap3A_107 = vector.shape_cast %add3A_102 : vector<16xi32> to vector<16xi32>
      tpu.vector_store %arg7[%swap3A], %swap3A_107 {strides = array<i32>} : memref<10112xi32, #tpu.memory_space<vmem>>, vector<16xi32>,
    }
    %while3A_60 = arith.constant 1 : i32
    scf.for %while3A_95 = %while3A_58 to %while3A_54 step %while3A_60  : i32 {
      %mul3A_96 = arith.constant 16 : i32
      %mul3A_97 = arith.muli %while3A_95, %mul3A_96 : i32
      %get3A = arith.index_cast %mul3A_97 : i32 to index
      %get3A_98 = tpu.vector_load %arg7[%get3A] {strides = array<i32>} : memref<10112xi32, #tpu.memory_space<vmem>>, vector<16xi32>,
      %get3A_99 = vector.shape_cast %get3A_98 : vector<16xi32> to vector<16xi32>
      %add3A_100 = arith.constant 1 : i32
      %add3A_101 = vector.broadcast %add3A_100 : i32 to vector<16xi32>
      %add3A_102 = arith.addi %get3A_99, %add3A_101 : vector<16xi32>
      %mul3A_103 = arith.constant 16 : i32
      %mul3A_104 = arith.muli %while3A_95, %mul3A_103 : i32
      %swap3A = arith.index_cast %mul3A_104 : i32 to index
      %swap3A_105 = tpu.vector_load %arg7[%swap3A] {strides = array<i32>} : memref<10112xi32, #tpu.memory_space<vmem>>, vector<16xi32>,
      %swap3A_106 = vector.shape_cast %swap3A_105 : vector<16xi32> to vector<16xi32>
      %swap3A_107 = vector.shape_cast %add3A_102 : vector<16xi32> to vector<16xi32>
      tpu.vector_store %arg7[%swap3A], %swap3A_107 {strides = array<i32>} : memref<10112xi32, #tpu.memory_space<vmem>>, vector<16xi32>,
    }
    "tpu.region"() ({
      %run_scoped3A_95 = tpu.sem_alloc : memref<!tpu.dma_semaphore, #tpu.memory_space<semaphore_mem>>
      %dma_start3A_96 = arith.constant 0 : i32
      %dma_start3A_97 = tpu.memref_slice %arg16[%mul3A_23, %dma_start3A_96] : memref<5008x128xf32, #tpu.memory_space<vmem_shared>> -> memref<312x128xf32, #tpu.memory_space<vmem_shared>>
      tpu.enqueue_dma source(%arg5 : memref<312x128xf32, #tpu.memory_space<hbm>>) target(%dma_start3A_97 : memref<312x128xf32, #tpu.memory_space<vmem_shared>>) target_semaphore(%run_scoped3A_95 : memref<!tpu.dma_semaphore, #tpu.memory_space<semaphore_mem>>)
      %dma_wait3A = arith.constant 0 : i32
      %dma_wait3A_98 = tpu.memref_slice %arg16[%mul3A_23, %dma_wait3A] : memref<5008x128xf32, #tpu.memory_space<vmem_shared>> -> memref<312x128xf32, #tpu.memory_space<vmem_shared>>
      tpu.wait_dma2 semaphore(%run_scoped3A_95 : memref<!tpu.dma_semaphore, #tpu.memory_space<semaphore_mem>>) src(%arg5 : memref<312x128xf32, #tpu.memory_space<hbm>>) dst(%dma_wait3A_98 : memref<312x128xf32, #tpu.memory_space<vmem_shared>>)
      tpu.yield
    }) : () -> ()
    %eq3A_61 = arith.constant 15 : i32
    %eq3A_62 = arith.cmpi eq, %arg1, %eq3A_61 : i32
    %convert_element_type3A_63 = arith.extui %eq3A_62 : i1 to i32
    %cond3A_64 = arith.constant 0 : i32
    %cond3A_65 = arith.cmpi ne, %convert_element_type3A_63, %cond3A_64 : i32
    scf.if %cond3A_65 {
      "tpu.region"() ({
        %run_scoped3A_95 = tpu.sem_alloc : memref<!tpu.dma_semaphore, #tpu.memory_space<semaphore_mem>>
        %dma_start3A_96 = arith.constant 4992 : i32
        %dma_start3A_97 = arith.constant 0 : i32
        %dma_start3A_98 = tpu.memref_slice %arg16[%dma_start3A_96, %dma_start3A_97] : memref<5008x128xf32, #tpu.memory_space<vmem_shared>> -> memref<16x128xf32, #tpu.memory_space<vmem_shared>>
        %dma_start3A_99 = arith.constant 0 : i32
        %dma_start3A_100 = arith.constant 0 : i32
        %dma_start3A_101 = tpu.memref_slice %arg5[%dma_start3A_99, %dma_start3A_100] : memref<312x128xf32, #tpu.memory_space<hbm>> -> memref<16x128xf32, #tpu.memory_space<hbm>>
        tpu.enqueue_dma source(%dma_start3A_101 : memref<16x128xf32, #tpu.memory_space<hbm>>) target(%dma_start3A_98 : memref<16x128xf32, #tpu.memory_space<vmem_shared>>) target_semaphore(%run_scoped3A_95 : memref<!tpu.dma_semaphore, #tpu.memory_space<semaphore_mem>>)
        %dma_wait3A = arith.constant 4992 : i32
        %dma_wait3A_102 = arith.constant 0 : i32
        %dma_wait3A_103 = tpu.memref_slice %arg16[%dma_wait3A, %dma_wait3A_102] : memref<5008x128xf32, #tpu.memory_space<vmem_shared>> -> memref<16x128xf32, #tpu.memory_space<vmem_shared>>
        %dma_wait3A_104 = arith.constant 0 : i32
        %dma_wait3A_105 = arith.constant 0 : i32
        %dma_wait3A_106 = tpu.memref_slice %arg5[%dma_wait3A_104, %dma_wait3A_105] : memref<312x128xf32, #tpu.memory_space<hbm>> -> memref<16x128xf32, #tpu.memory_space<hbm>>
        tpu.wait_dma2 semaphore(%run_scoped3A_95 : memref<!tpu.dma_semaphore, #tpu.memory_space<semaphore_mem>>) src(%dma_wait3A_106 : memref<16x128xf32, #tpu.memory_space<hbm>>) dst(%dma_wait3A_103 : memref<16x128xf32, #tpu.memory_space<vmem_shared>>)
        tpu.yield
      }) : () -> ()
    } else {
    }
    %barrier3A_66 = arith.constant 0 : index
    tpu.barrier barrier_id(%barrier3A_66)
    %add3A_67 = arith.constant 0 : i32
    %add3A_68 = arith.addi %arg1, %add3A_67 : i32
    %mul3A_69 = arith.constant 128 : i32
    %mul3A_70 = arith.muli %add3A_68, %mul3A_69 : i32
    %multiple_of3A_71 = tpu.assume_multiple %mul3A_70, 128 : i32
    %dma_start3A_72 = tpu.memref_slice %arg4[%multiple_of3A_71] : memref<160000xi32, #tpu.memory_space<hbm>> -> memref<128xi32, #tpu.memory_space<hbm>>
    %dma_start3A_73 = tpu.memref_slice %arg4[%multiple_of3A_71] : memref<160000xi32, #tpu.memory_space<hbm>> -> memref<128xi32, #tpu.memory_space<hbm>>
    tpu.enqueue_dma source(%dma_start3A_73 : memref<128xi32, #tpu.memory_space<hbm>>) target(%arg8 : memref<128xi32, #tpu.memory_space<vmem>>) target_semaphore(%arg26 : memref<!tpu.dma_semaphore, #tpu.memory_space<semaphore_mem>>)
    %multiple_of3A_74 = arith.constant 0 : i32
    %multiple_of3A_75 = tpu.assume_multiple %multiple_of3A_74, 8 : i32
    %dma_start3A_76 = tpu.memref_slice %arg7[%multiple_of3A_75] : memref<10112xi32, #tpu.memory_space<vmem>> -> memref<128xi32, #tpu.memory_space<vmem>>
    %dma_start3A_77 = arith.constant 0 : i32
    %dma_start3A_78 = arith.constant 0 : i32
    %dma_start3A_79 = tpu.memref_slice %arg2[%dma_start3A_77, %dma_start3A_78] : memref<20000x128xf32, #tpu.memory_space<hbm>> -> memref<20000x128xf32, #tpu.memory_space<hbm>>
    tpu.enqueue_indirect_dma source(%dma_start3A_79 : memref<20000x128xf32, #tpu.memory_space<hbm>>) target(%arg12 : memref<128x128xf32, #tpu.memory_space<vmem>>) offsets(%dma_start3A_76 : memref<128xi32, #tpu.memory_space<vmem>>) semaphore(%arg18 : memref<!tpu.dma_semaphore, #tpu.memory_space<semaphore_mem>>)
    %scan3A_80 = arith.constant 0 : i32
    %scan3A_81 = arith.constant 0 : i32
    %scan3A_82 = arith.constant 21 : i32
    %scan3A_83 = arith.addi %scan3A_81, %scan3A_82 : i32
    %scan3A_84 = arith.constant 1 : i32
    scf.for %scan3A_95 = %scan3A_81 to %scan3A_83 step %scan3A_84  : i32 {
      %mul3A_96 = arith.constant 4 : i32
      %mul3A_97 = arith.muli %mul3A_96, %scan3A_95 : i32
      %add3A_98 = arith.constant 0 : i32
      %add3A_99 = arith.addi %mul3A_97, %add3A_98 : i32
      %lt3A_100 = arith.cmpi slt, %add3A_99, %select_n3A : i32
      %convert_element_type3A_101 = arith.extui %lt3A_100 : i1 to i32
      %cond3A_102 = arith.constant 0 : i32
      %cond3A_103 = arith.cmpi ne, %convert_element_type3A_101, %cond3A_102 : i32
      scf.if %cond3A_103 {
        %dma_wait3A = arith.constant 0 : i32
        %dma_wait3A_185 = tpu.memref_slice %arg7[%dma_wait3A] : memref<10112xi32, #tpu.memory_space<vmem>> -> memref<128xi32, #tpu.memory_space<vmem>>
        %dma_wait3A_186 = arith.constant 0 : i32
        %dma_wait3A_187 = arith.constant 0 : i32
        %dma_wait3A_188 = tpu.memref_slice %arg2[%dma_wait3A_186, %dma_wait3A_187] : memref<20000x128xf32, #tpu.memory_space<hbm>> -> memref<20000x128xf32, #tpu.memory_space<hbm>>
        tpu.wait_indirect_dma semaphore(%arg18 : memref<!tpu.dma_semaphore, #tpu.memory_space<semaphore_mem>>) src(%dma_wait3A_188 : memref<20000x128xf32, #tpu.memory_space<hbm>>) dst(%arg12 : memref<128x128xf32, #tpu.memory_space<vmem>>)
        %dma_wait3A_189 = arith.constant 0 : i32
        %dma_wait3A_190 = tpu.memref_slice %arg4[%dma_wait3A_189] : memref<160000xi32, #tpu.memory_space<hbm>> -> memref<128xi32, #tpu.memory_space<hbm>>
        %dma_wait3A_191 = arith.constant 0 : i32
        %dma_wait3A_192 = tpu.memref_slice %arg4[%dma_wait3A_191] : memref<160000xi32, #tpu.memory_space<hbm>> -> memref<128xi32, #tpu.memory_space<hbm>>
        tpu.wait_dma2 semaphore(%arg26 : memref<!tpu.dma_semaphore, #tpu.memory_space<semaphore_mem>>) src(%dma_wait3A_192 : memref<128xi32, #tpu.memory_space<hbm>>) dst(%arg8 : memref<128xi32, #tpu.memory_space<vmem>>)
        %scan3A_193 = arith.constant 0 : i32
        %scan3A_194 = arith.constant 0 : i32
        %scan3A_195 = arith.constant 8 : i32
        %scan3A_196 = arith.addi %scan3A_194, %scan3A_195 : i32
        %scan3A_197 = arith.constant 1 : i32
        scf.for %scan3A_202 = %scan3A_194 to %scan3A_196 step %scan3A_197  : i32 {
          %mul3A_203 = arith.constant 16 : i32
          %mul3A_204 = arith.muli %scan3A_202, %mul3A_203 : i32
          %get3A = arith.index_cast %mul3A_204 : i32 to index
          %get3A_205 = tpu.vector_load %arg8[%get3A] {strides = array<i32>} : memref<128xi32, #tpu.memory_space<vmem>>, vector<16xi32>,
          %get3A_206 = vector.shape_cast %get3A_205 : vector<16xi32> to vector<16xi32>
          %sub3A_207 = vector.broadcast %mul3A_0 : i32 to vector<16xi32>
          %sub3A_208 = arith.subi %get3A_206, %sub3A_207 : vector<16xi32>
          %ge3A_209 = arith.constant 0 : i32
          %ge3A_210 = vector.broadcast %ge3A_209 : i32 to vector<16xi32>
          %ge3A_211 = arith.cmpi sge, %sub3A_208, %ge3A_210 : vector<16xi32>
          %lt3A_212 = arith.constant 5000 : i32
          %lt3A_213 = vector.broadcast %lt3A_212 : i32 to vector<16xi32>
          %lt3A_214 = arith.cmpi slt, %sub3A_208, %lt3A_213 : vector<16xi32>
          %and3A_215 = arith.andi %ge3A_211, %lt3A_214 : vector<16xi1>
          %jit3A_216 = arith.constant 5000 : i32
          %broadcast_in_dim3A = vector.broadcast %jit3A_216 : i32 to vector<16xi32>
          %select_n3A_217 = arith.select %and3A_215, %sub3A_208, %broadcast_in_dim3A : vector<16xi1>, vector<16xi32>
          %mul3A_218 = arith.constant 16 : i32
          %mul3A_219 = arith.muli %scan3A_202, %mul3A_218 : i32
          %swap3A = arith.index_cast %mul3A_219 : i32 to index
          %swap3A_220 = tpu.vector_load %arg8[%swap3A] {strides = array<i32>} : memref<128xi32, #tpu.memory_space<vmem>>, vector<16xi32>,
          %swap3A_221 = vector.shape_cast %swap3A_220 : vector<16xi32> to vector<16xi32>
          %swap3A_222 = vector.shape_cast %select_n3A_217 : vector<16xi32> to vector<16xi32>
          tpu.vector_store %arg8[%swap3A], %swap3A_222 {strides = array<i32>} : memref<128xi32, #tpu.memory_space<vmem>>, vector<16xi32>,
        }
        %scan3A_198 = arith.constant 8 : i32
        %dma_start3A_199 = arith.constant 0 : i32
        %dma_start3A_200 = arith.constant 0 : i32
        %dma_start3A_201 = tpu.memref_slice %arg16[%dma_start3A_199, %dma_start3A_200] : memref<5008x128xf32, #tpu.memory_space<vmem_shared>> -> memref<5008x128xf32, #tpu.memory_space<vmem_shared>>
        tpu.enqueue_indirect_dma source(%arg12 : memref<128x128xf32, #tpu.memory_space<vmem>>) target(%dma_start3A_201 : memref<5008x128xf32, #tpu.memory_space<vmem_shared>>) offsets(%arg8 : memref<128xi32, #tpu.memory_space<vmem>>) semaphore(%arg22 : memref<!tpu.dma_semaphore, #tpu.memory_space<semaphore_mem>>) {add = true}
      } else {
      }
      %ge3A = arith.constant 3 : i32
      %ge3A_104 = arith.cmpi sge, %add3A_99, %ge3A : i32
      %sub3A = arith.constant 3 : i32
      %sub3A_105 = arith.subi %add3A_99, %sub3A : i32
      %lt3A_106 = arith.cmpi slt, %sub3A_105, %select_n3A : i32
      %and3A = arith.andi %ge3A_104, %lt3A_106 : i1
      %convert_element_type3A_107 = arith.extui %and3A : i1 to i32
      %cond3A_108 = arith.constant 0 : i32
      %cond3A_109 = arith.cmpi ne, %convert_element_type3A_107, %cond3A_108 : i32
      scf.if %cond3A_109 {
        %dma_wait3A = arith.constant 0 : i32
        %dma_wait3A_185 = arith.constant 0 : i32
        %dma_wait3A_186 = tpu.memref_slice %arg16[%dma_wait3A, %dma_wait3A_185] : memref<5008x128xf32, #tpu.memory_space<vmem_shared>> -> memref<5008x128xf32, #tpu.memory_space<vmem_shared>>
        tpu.wait_indirect_dma semaphore(%arg23 : memref<!tpu.dma_semaphore, #tpu.memory_space<semaphore_mem>>) src(%arg13 : memref<128x128xf32, #tpu.memory_space<vmem>>) dst(%dma_wait3A_186 : memref<5008x128xf32, #tpu.memory_space<vmem_shared>>)
      } else {
      }
      %add3A_110 = arith.constant 1 : i32
      %add3A_111 = arith.addi %add3A_99, %add3A_110 : i32
      %lt3A_112 = arith.cmpi slt, %add3A_111, %select_n3A : i32
      %convert_element_type3A_113 = arith.extui %lt3A_112 : i1 to i32
      %cond3A_114 = arith.constant 0 : i32
      %cond3A_115 = arith.cmpi ne, %convert_element_type3A_113, %cond3A_114 : i32
      scf.if %cond3A_115 {
        %add3A_185 = arith.constant 1 : i32
        %add3A_186 = arith.addi %add3A_99, %add3A_185 : i32
        %mul3A_187 = arith.constant 16 : i32
        %mul3A_188 = arith.muli %add3A_186, %mul3A_187 : i32
        %add3A_189 = arith.addi %arg1, %mul3A_188 : i32
        %mul3A_190 = arith.constant 128 : i32
        %mul3A_191 = arith.muli %add3A_189, %mul3A_190 : i32
        %multiple_of3A_192 = tpu.assume_multiple %mul3A_191, 128 : i32
        %dma_start3A_193 = tpu.memref_slice %arg4[%multiple_of3A_192] : memref<160000xi32, #tpu.memory_space<hbm>> -> memref<128xi32, #tpu.memory_space<hbm>>
        %dma_start3A_194 = tpu.memref_slice %arg4[%multiple_of3A_192] : memref<160000xi32, #tpu.memory_space<hbm>> -> memref<128xi32, #tpu.memory_space<hbm>>
        tpu.enqueue_dma source(%dma_start3A_194 : memref<128xi32, #tpu.memory_space<hbm>>) target(%arg9 : memref<128xi32, #tpu.memory_space<vmem>>) target_semaphore(%arg27 : memref<!tpu.dma_semaphore, #tpu.memory_space<semaphore_mem>>)
        %add3A_195 = arith.constant 1 : i32
        %add3A_196 = arith.addi %add3A_99, %add3A_195 : i32
        %mul3A_197 = arith.constant 128 : i32
        %mul3A_198 = arith.muli %add3A_196, %mul3A_197 : i32
        %multiple_of3A_199 = tpu.assume_multiple %mul3A_198, 8 : i32
        %dma_start3A_200 = tpu.memref_slice %arg7[%multiple_of3A_199] : memref<10112xi32, #tpu.memory_space<vmem>> -> memref<128xi32, #tpu.memory_space<vmem>>
        %dma_start3A_201 = arith.constant 0 : i32
        %dma_start3A_202 = arith.constant 0 : i32
        %dma_start3A_203 = tpu.memref_slice %arg2[%dma_start3A_201, %dma_start3A_202] : memref<20000x128xf32, #tpu.memory_space<hbm>> -> memref<20000x128xf32, #tpu.memory_space<hbm>>
        tpu.enqueue_indirect_dma source(%dma_start3A_203 : memref<20000x128xf32, #tpu.memory_space<hbm>>) target(%arg13 : memref<128x128xf32, #tpu.memory_space<vmem>>) offsets(%dma_start3A_200 : memref<128xi32, #tpu.memory_space<vmem>>) semaphore(%arg19 : memref<!tpu.dma_semaphore, #tpu.memory_space<semaphore_mem>>)
      } else {
      }
      %mul3A_116 = arith.constant 4 : i32
      %mul3A_117 = arith.muli %mul3A_116, %scan3A_95 : i32
      %add3A_118 = arith.constant 1 : i32
      %add3A_119 = arith.addi %mul3A_117, %add3A_118 : i32
      %lt3A_120 = arith.cmpi slt, %add3A_119, %select_n3A : i32
      %convert_element_type3A_121 = arith.extui %lt3A_120 : i1 to i32
      %cond3A_122 = arith.constant 0 : i32
      %cond3A_123 = arith.cmpi ne, %convert_element_type3A_121, %cond3A_122 : i32
      scf.if %cond3A_123 {
        %dma_wait3A = arith.constant 0 : i32
        %dma_wait3A_185 = tpu.memref_slice %arg7[%dma_wait3A] : memref<10112xi32, #tpu.memory_space<vmem>> -> memref<128xi32, #tpu.memory_space<vmem>>
        %dma_wait3A_186 = arith.constant 0 : i32
        %dma_wait3A_187 = arith.constant 0 : i32
        %dma_wait3A_188 = tpu.memref_slice %arg2[%dma_wait3A_186, %dma_wait3A_187] : memref<20000x128xf32, #tpu.memory_space<hbm>> -> memref<20000x128xf32, #tpu.memory_space<hbm>>
        tpu.wait_indirect_dma semaphore(%arg19 : memref<!tpu.dma_semaphore, #tpu.memory_space<semaphore_mem>>) src(%dma_wait3A_188 : memref<20000x128xf32, #tpu.memory_space<hbm>>) dst(%arg13 : memref<128x128xf32, #tpu.memory_space<vmem>>)
        %dma_wait3A_189 = arith.constant 0 : i32
        %dma_wait3A_190 = tpu.memref_slice %arg4[%dma_wait3A_189] : memref<160000xi32, #tpu.memory_space<hbm>> -> memref<128xi32, #tpu.memory_space<hbm>>
        %dma_wait3A_191 = arith.constant 0 : i32
        %dma_wait3A_192 = tpu.memref_slice %arg4[%dma_wait3A_191] : memref<160000xi32, #tpu.memory_space<hbm>> -> memref<128xi32, #tpu.memory_space<hbm>>
        tpu.wait_dma2 semaphore(%arg27 : memref<!tpu.dma_semaphore, #tpu.memory_space<semaphore_mem>>) src(%dma_wait3A_192 : memref<128xi32, #tpu.memory_space<hbm>>) dst(%arg9 : memref<128xi32, #tpu.memory_space<vmem>>)
        %scan3A_193 = arith.constant 0 : i32
        %scan3A_194 = arith.constant 0 : i32
        %scan3A_195 = arith.constant 8 : i32
        %scan3A_196 = arith.addi %scan3A_194, %scan3A_195 : i32
        %scan3A_197 = arith.constant 1 : i32
        scf.for %scan3A_202 = %scan3A_194 to %scan3A_196 step %scan3A_197  : i32 {
          %mul3A_203 = arith.constant 16 : i32
          %mul3A_204 = arith.muli %scan3A_202, %mul3A_203 : i32
          %get3A = arith.index_cast %mul3A_204 : i32 to index
          %get3A_205 = tpu.vector_load %arg9[%get3A] {strides = array<i32>} : memref<128xi32, #tpu.memory_space<vmem>>, vector<16xi32>,
          %get3A_206 = vector.shape_cast %get3A_205 : vector<16xi32> to vector<16xi32>
          %sub3A_207 = vector.broadcast %mul3A_0 : i32 to vector<16xi32>
          %sub3A_208 = arith.subi %get3A_206, %sub3A_207 : vector<16xi32>
          %ge3A_209 = arith.constant 0 : i32
          %ge3A_210 = vector.broadcast %ge3A_209 : i32 to vector<16xi32>
          %ge3A_211 = arith.cmpi sge, %sub3A_208, %ge3A_210 : vector<16xi32>
          %lt3A_212 = arith.constant 5000 : i32
          %lt3A_213 = vector.broadcast %lt3A_212 : i32 to vector<16xi32>
          %lt3A_214 = arith.cmpi slt, %sub3A_208, %lt3A_213 : vector<16xi32>
          %and3A_215 = arith.andi %ge3A_211, %lt3A_214 : vector<16xi1>
          %jit3A_216 = arith.constant 5000 : i32
          %broadcast_in_dim3A = vector.broadcast %jit3A_216 : i32 to vector<16xi32>
          %select_n3A_217 = arith.select %and3A_215, %sub3A_208, %broadcast_in_dim3A : vector<16xi1>, vector<16xi32>
          %mul3A_218 = arith.constant 16 : i32
          %mul3A_219 = arith.muli %scan3A_202, %mul3A_218 : i32
          %swap3A = arith.index_cast %mul3A_219 : i32 to index
          %swap3A_220 = tpu.vector_load %arg9[%swap3A] {strides = array<i32>} : memref<128xi32, #tpu.memory_space<vmem>>, vector<16xi32>,
          %swap3A_221 = vector.shape_cast %swap3A_220 : vector<16xi32> to vector<16xi32>
          %swap3A_222 = vector.shape_cast %select_n3A_217 : vector<16xi32> to vector<16xi32>
          tpu.vector_store %arg9[%swap3A], %swap3A_222 {strides = array<i32>} : memref<128xi32, #tpu.memory_space<vmem>>, vector<16xi32>,
        }
        %scan3A_198 = arith.constant 8 : i32
        %dma_start3A_199 = arith.constant 0 : i32
        %dma_start3A_200 = arith.constant 0 : i32
        %dma_start3A_201 = tpu.memref_slice %arg16[%dma_start3A_199, %dma_start3A_200] : memref<5008x128xf32, #tpu.memory_space<vmem_shared>> -> memref<5008x128xf32, #tpu.memory_space<vmem_shared>>
        tpu.enqueue_indirect_dma source(%arg13 : memref<128x128xf32, #tpu.memory_space<vmem>>) target(%dma_start3A_201 : memref<5008x128xf32, #tpu.memory_space<vmem_shared>>) offsets(%arg9 : memref<128xi32, #tpu.memory_space<vmem>>) semaphore(%arg23 : memref<!tpu.dma_semaphore, #tpu.memory_space<semaphore_mem>>) {add = true}
      } else {
      }
      %ge3A_124 = arith.constant 3 : i32
      %ge3A_125 = arith.cmpi sge, %add3A_119, %ge3A_124 : i32
      %sub3A_126 = arith.constant 3 : i32
      %sub3A_127 = arith.subi %add3A_119, %sub3A_126 : i32
      %lt3A_128 = arith.cmpi slt, %sub3A_127, %select_n3A : i32
      %and3A_129 = arith.andi %ge3A_125, %lt3A_128 : i1
      %convert_element_type3A_130 = arith.extui %and3A_129 : i1 to i32
      %cond3A_131 = arith.constant 0 : i32
      %cond3A_132 = arith.cmpi ne, %convert_element_type3A_130, %cond3A_131 : i32
      scf.if %cond3A_132 {
        %dma_wait3A = arith.constant 0 : i32
        %dma_wait3A_185 = arith.constant 0 : i32
        %dma_wait3A_186 = tpu.memref_slice %arg16[%dma_wait3A, %dma_wait3A_185] : memref<5008x128xf32, #tpu.memory_space<vmem_shared>> -> memref<5008x128xf32, #tpu.memory_space<vmem_shared>>
        tpu.wait_indirect_dma semaphore(%arg24 : memref<!tpu.dma_semaphore, #tpu.memory_space<semaphore_mem>>) src(%arg14 : memref<128x128xf32, #tpu.memory_space<vmem>>) dst(%dma_wait3A_186 : memref<5008x128xf32, #tpu.memory_space<vmem_shared>>)
      } else {
      }
      %add3A_133 = arith.constant 1 : i32
      %add3A_134 = arith.addi %add3A_119, %add3A_133 : i32
      %lt3A_135 = arith.cmpi slt, %add3A_134, %select_n3A : i32
      %convert_element_type3A_136 = arith.extui %lt3A_135 : i1 to i32
      %cond3A_137 = arith.constant 0 : i32
      %cond3A_138 = arith.cmpi ne, %convert_element_type3A_136, %cond3A_137 : i32
      scf.if %cond3A_138 {
        %add3A_185 = arith.constant 1 : i32
        %add3A_186 = arith.addi %add3A_119, %add3A_185 : i32
        %mul3A_187 = arith.constant 16 : i32
        %mul3A_188 = arith.muli %add3A_186, %mul3A_187 : i32
        %add3A_189 = arith.addi %arg1, %mul3A_188 : i32
        %mul3A_190 = arith.constant 128 : i32
        %mul3A_191 = arith.muli %add3A_189, %mul3A_190 : i32
        %multiple_of3A_192 = tpu.assume_multiple %mul3A_191, 128 : i32
        %dma_start3A_193 = tpu.memref_slice %arg4[%multiple_of3A_192] : memref<160000xi32, #tpu.memory_space<hbm>> -> memref<128xi32, #tpu.memory_space<hbm>>
        %dma_start3A_194 = tpu.memref_slice %arg4[%multiple_of3A_192] : memref<160000xi32, #tpu.memory_space<hbm>> -> memref<128xi32, #tpu.memory_space<hbm>>
        tpu.enqueue_dma source(%dma_start3A_194 : memref<128xi32, #tpu.memory_space<hbm>>) target(%arg10 : memref<128xi32, #tpu.memory_space<vmem>>) target_semaphore(%arg28 : memref<!tpu.dma_semaphore, #tpu.memory_space<semaphore_mem>>)
        %add3A_195 = arith.constant 1 : i32
        %add3A_196 = arith.addi %add3A_119, %add3A_195 : i32
        %mul3A_197 = arith.constant 128 : i32
        %mul3A_198 = arith.muli %add3A_196, %mul3A_197 : i32
        %multiple_of3A_199 = tpu.assume_multiple %mul3A_198, 8 : i32
        %dma_start3A_200 = tpu.memref_slice %arg7[%multiple_of3A_199] : memref<10112xi32, #tpu.memory_space<vmem>> -> memref<128xi32, #tpu.memory_space<vmem>>
        %dma_start3A_201 = arith.constant 0 : i32
        %dma_start3A_202 = arith.constant 0 : i32
        %dma_start3A_203 = tpu.memref_slice %arg2[%dma_start3A_201, %dma_start3A_202] : memref<20000x128xf32, #tpu.memory_space<hbm>> -> memref<20000x128xf32, #tpu.memory_space<hbm>>
        tpu.enqueue_indirect_dma source(%dma_start3A_203 : memref<20000x128xf32, #tpu.memory_space<hbm>>) target(%arg14 : memref<128x128xf32, #tpu.memory_space<vmem>>) offsets(%dma_start3A_200 : memref<128xi32, #tpu.memory_space<vmem>>) semaphore(%arg20 : memref<!tpu.dma_semaphore, #tpu.memory_space<semaphore_mem>>)
      } else {
      }
      %mul3A_139 = arith.constant 4 : i32
      %mul3A_140 = arith.muli %mul3A_139, %scan3A_95 : i32
      %add3A_141 = arith.constant 2 : i32
      %add3A_142 = arith.addi %mul3A_140, %add3A_141 : i32
      %lt3A_143 = arith.cmpi slt, %add3A_142, %select_n3A : i32
      %convert_element_type3A_144 = arith.extui %lt3A_143 : i1 to i32
      %cond3A_145 = arith.constant 0 : i32
      %cond3A_146 = arith.cmpi ne, %convert_element_type3A_144, %cond3A_145 : i32
      scf.if %cond3A_146 {
        %dma_wait3A = arith.constant 0 : i32
        %dma_wait3A_185 = tpu.memref_slice %arg7[%dma_wait3A] : memref<10112xi32, #tpu.memory_space<vmem>> -> memref<128xi32, #tpu.memory_space<vmem>>
        %dma_wait3A_186 = arith.constant 0 : i32
        %dma_wait3A_187 = arith.constant 0 : i32
        %dma_wait3A_188 = tpu.memref_slice %arg2[%dma_wait3A_186, %dma_wait3A_187] : memref<20000x128xf32, #tpu.memory_space<hbm>> -> memref<20000x128xf32, #tpu.memory_space<hbm>>
        tpu.wait_indirect_dma semaphore(%arg20 : memref<!tpu.dma_semaphore, #tpu.memory_space<semaphore_mem>>) src(%dma_wait3A_188 : memref<20000x128xf32, #tpu.memory_space<hbm>>) dst(%arg14 : memref<128x128xf32, #tpu.memory_space<vmem>>)
        %dma_wait3A_189 = arith.constant 0 : i32
        %dma_wait3A_190 = tpu.memref_slice %arg4[%dma_wait3A_189] : memref<160000xi32, #tpu.memory_space<hbm>> -> memref<128xi32, #tpu.memory_space<hbm>>
        %dma_wait3A_191 = arith.constant 0 : i32
        %dma_wait3A_192 = tpu.memref_slice %arg4[%dma_wait3A_191] : memref<160000xi32, #tpu.memory_space<hbm>> -> memref<128xi32, #tpu.memory_space<hbm>>
        tpu.wait_dma2 semaphore(%arg28 : memref<!tpu.dma_semaphore, #tpu.memory_space<semaphore_mem>>) src(%dma_wait3A_192 : memref<128xi32, #tpu.memory_space<hbm>>) dst(%arg10 : memref<128xi32, #tpu.memory_space<vmem>>)
        %scan3A_193 = arith.constant 0 : i32
        %scan3A_194 = arith.constant 0 : i32
        %scan3A_195 = arith.constant 8 : i32
        %scan3A_196 = arith.addi %scan3A_194, %scan3A_195 : i32
        %scan3A_197 = arith.constant 1 : i32
        scf.for %scan3A_202 = %scan3A_194 to %scan3A_196 step %scan3A_197  : i32 {
          %mul3A_203 = arith.constant 16 : i32
          %mul3A_204 = arith.muli %scan3A_202, %mul3A_203 : i32
          %get3A = arith.index_cast %mul3A_204 : i32 to index
          %get3A_205 = tpu.vector_load %arg10[%get3A] {strides = array<i32>} : memref<128xi32, #tpu.memory_space<vmem>>, vector<16xi32>,
          %get3A_206 = vector.shape_cast %get3A_205 : vector<16xi32> to vector<16xi32>
          %sub3A_207 = vector.broadcast %mul3A_0 : i32 to vector<16xi32>
          %sub3A_208 = arith.subi %get3A_206, %sub3A_207 : vector<16xi32>
          %ge3A_209 = arith.constant 0 : i32
          %ge3A_210 = vector.broadcast %ge3A_209 : i32 to vector<16xi32>
          %ge3A_211 = arith.cmpi sge, %sub3A_208, %ge3A_210 : vector<16xi32>
          %lt3A_212 = arith.constant 5000 : i32
          %lt3A_213 = vector.broadcast %lt3A_212 : i32 to vector<16xi32>
          %lt3A_214 = arith.cmpi slt, %sub3A_208, %lt3A_213 : vector<16xi32>
          %and3A_215 = arith.andi %ge3A_211, %lt3A_214 : vector<16xi1>
          %jit3A_216 = arith.constant 5000 : i32
          %broadcast_in_dim3A = vector.broadcast %jit3A_216 : i32 to vector<16xi32>
          %select_n3A_217 = arith.select %and3A_215, %sub3A_208, %broadcast_in_dim3A : vector<16xi1>, vector<16xi32>
          %mul3A_218 = arith.constant 16 : i32
          %mul3A_219 = arith.muli %scan3A_202, %mul3A_218 : i32
          %swap3A = arith.index_cast %mul3A_219 : i32 to index
          %swap3A_220 = tpu.vector_load %arg10[%swap3A] {strides = array<i32>} : memref<128xi32, #tpu.memory_space<vmem>>, vector<16xi32>,
          %swap3A_221 = vector.shape_cast %swap3A_220 : vector<16xi32> to vector<16xi32>
          %swap3A_222 = vector.shape_cast %select_n3A_217 : vector<16xi32> to vector<16xi32>
          tpu.vector_store %arg10[%swap3A], %swap3A_222 {strides = array<i32>} : memref<128xi32, #tpu.memory_space<vmem>>, vector<16xi32>,
        }
        %scan3A_198 = arith.constant 8 : i32
        %dma_start3A_199 = arith.constant 0 : i32
        %dma_start3A_200 = arith.constant 0 : i32
        %dma_start3A_201 = tpu.memref_slice %arg16[%dma_start3A_199, %dma_start3A_200] : memref<5008x128xf32, #tpu.memory_space<vmem_shared>> -> memref<5008x128xf32, #tpu.memory_space<vmem_shared>>
        tpu.enqueue_indirect_dma source(%arg14 : memref<128x128xf32, #tpu.memory_space<vmem>>) target(%dma_start3A_201 : memref<5008x128xf32, #tpu.memory_space<vmem_shared>>) offsets(%arg10 : memref<128xi32, #tpu.memory_space<vmem>>) semaphore(%arg24 : memref<!tpu.dma_semaphore, #tpu.memory_space<semaphore_mem>>) {add = true}
      } else {
      }
      %ge3A_147 = arith.constant 3 : i32
      %ge3A_148 = arith.cmpi sge, %add3A_142, %ge3A_147 : i32
      %sub3A_149 = arith.constant 3 : i32
      %sub3A_150 = arith.subi %add3A_142, %sub3A_149 : i32
      %lt3A_151 = arith.cmpi slt, %sub3A_150, %select_n3A : i32
      %and3A_152 = arith.andi %ge3A_148, %lt3A_151 : i1
      %convert_element_type3A_153 = arith.extui %and3A_152 : i1 to i32
      %cond3A_154 = arith.constant 0 : i32
      %cond3A_155 = arith.cmpi ne, %convert_element_type3A_153, %cond3A_154 : i32
      scf.if %cond3A_155 {
        %dma_wait3A = arith.constant 0 : i32
        %dma_wait3A_185 = arith.constant 0 : i32
        %dma_wait3A_186 = tpu.memref_slice %arg16[%dma_wait3A, %dma_wait3A_185] : memref<5008x128xf32, #tpu.memory_space<vmem_shared>> -> memref<5008x128xf32, #tpu.memory_space<vmem_shared>>
        tpu.wait_indirect_dma semaphore(%arg25 : memref<!tpu.dma_semaphore, #tpu.memory_space<semaphore_mem>>) src(%arg15 : memref<128x128xf32, #tpu.memory_space<vmem>>) dst(%dma_wait3A_186 : memref<5008x128xf32, #tpu.memory_space<vmem_shared>>)
      } else {
      }
      %add3A_156 = arith.constant 1 : i32
      %add3A_157 = arith.addi %add3A_142, %add3A_156 : i32
      %lt3A_158 = arith.cmpi slt, %add3A_157, %select_n3A : i32
      %convert_element_type3A_159 = arith.extui %lt3A_158 : i1 to i32
      %cond3A_160 = arith.constant 0 : i32
      %cond3A_161 = arith.cmpi ne, %convert_element_type3A_159, %cond3A_160 : i32
      scf.if %cond3A_161 {
        %add3A_185 = arith.constant 1 : i32
        %add3A_186 = arith.addi %add3A_142, %add3A_185 : i32
        %mul3A_187 = arith.constant 16 : i32
        %mul3A_188 = arith.muli %add3A_186, %mul3A_187 : i32
        %add3A_189 = arith.addi %arg1, %mul3A_188 : i32
        %mul3A_190 = arith.constant 128 : i32
        %mul3A_191 = arith.muli %add3A_189, %mul3A_190 : i32
        %multiple_of3A_192 = tpu.assume_multiple %mul3A_191, 128 : i32
        %dma_start3A_193 = tpu.memref_slice %arg4[%multiple_of3A_192] : memref<160000xi32, #tpu.memory_space<hbm>> -> memref<128xi32, #tpu.memory_space<hbm>>
        %dma_start3A_194 = tpu.memref_slice %arg4[%multiple_of3A_192] : memref<160000xi32, #tpu.memory_space<hbm>> -> memref<128xi32, #tpu.memory_space<hbm>>
        tpu.enqueue_dma source(%dma_start3A_194 : memref<128xi32, #tpu.memory_space<hbm>>) target(%arg11 : memref<128xi32, #tpu.memory_space<vmem>>) target_semaphore(%arg29 : memref<!tpu.dma_semaphore, #tpu.memory_space<semaphore_mem>>)
        %add3A_195 = arith.constant 1 : i32
        %add3A_196 = arith.addi %add3A_142, %add3A_195 : i32
        %mul3A_197 = arith.constant 128 : i32
        %mul3A_198 = arith.muli %add3A_196, %mul3A_197 : i32
        %multiple_of3A_199 = tpu.assume_multiple %mul3A_198, 8 : i32
        %dma_start3A_200 = tpu.memref_slice %arg7[%multiple_of3A_199] : memref<10112xi32, #tpu.memory_space<vmem>> -> memref<128xi32, #tpu.memory_space<vmem>>
        %dma_start3A_201 = arith.constant 0 : i32
        %dma_start3A_202 = arith.constant 0 : i32
        %dma_start3A_203 = tpu.memref_slice %arg2[%dma_start3A_201, %dma_start3A_202] : memref<20000x128xf32, #tpu.memory_space<hbm>> -> memref<20000x128xf32, #tpu.memory_space<hbm>>
        tpu.enqueue_indirect_dma source(%dma_start3A_203 : memref<20000x128xf32, #tpu.memory_space<hbm>>) target(%arg15 : memref<128x128xf32, #tpu.memory_space<vmem>>) offsets(%dma_start3A_200 : memref<128xi32, #tpu.memory_space<vmem>>) semaphore(%arg21 : memref<!tpu.dma_semaphore, #tpu.memory_space<semaphore_mem>>)
      } else {
      }
      %mul3A_162 = arith.constant 4 : i32
      %mul3A_163 = arith.muli %mul3A_162, %scan3A_95 : i32
      %add3A_164 = arith.constant 3 : i32
      %add3A_165 = arith.addi %mul3A_163, %add3A_164 : i32
      %lt3A_166 = arith.cmpi slt, %add3A_165, %select_n3A : i32
      %convert_element_type3A_167 = arith.extui %lt3A_166 : i1 to i32
      %cond3A_168 = arith.constant 0 : i32
      %cond3A_169 = arith.cmpi ne, %convert_element_type3A_167, %cond3A_168 : i32
      scf.if %cond3A_169 {
        %dma_wait3A = arith.constant 0 : i32
        %dma_wait3A_185 = tpu.memref_slice %arg7[%dma_wait3A] : memref<10112xi32, #tpu.memory_space<vmem>> -> memref<128xi32, #tpu.memory_space<vmem>>
        %dma_wait3A_186 = arith.constant 0 : i32
        %dma_wait3A_187 = arith.constant 0 : i32
        %dma_wait3A_188 = tpu.memref_slice %arg2[%dma_wait3A_186, %dma_wait3A_187] : memref<20000x128xf32, #tpu.memory_space<hbm>> -> memref<20000x128xf32, #tpu.memory_space<hbm>>
        tpu.wait_indirect_dma semaphore(%arg21 : memref<!tpu.dma_semaphore, #tpu.memory_space<semaphore_mem>>) src(%dma_wait3A_188 : memref<20000x128xf32, #tpu.memory_space<hbm>>) dst(%arg15 : memref<128x128xf32, #tpu.memory_space<vmem>>)
        %dma_wait3A_189 = arith.constant 0 : i32
        %dma_wait3A_190 = tpu.memref_slice %arg4[%dma_wait3A_189] : memref<160000xi32, #tpu.memory_space<hbm>> -> memref<128xi32, #tpu.memory_space<hbm>>
        %dma_wait3A_191 = arith.constant 0 : i32
        %dma_wait3A_192 = tpu.memref_slice %arg4[%dma_wait3A_191] : memref<160000xi32, #tpu.memory_space<hbm>> -> memref<128xi32, #tpu.memory_space<hbm>>
        tpu.wait_dma2 semaphore(%arg29 : memref<!tpu.dma_semaphore, #tpu.memory_space<semaphore_mem>>) src(%dma_wait3A_192 : memref<128xi32, #tpu.memory_space<hbm>>) dst(%arg11 : memref<128xi32, #tpu.memory_space<vmem>>)
        %scan3A_193 = arith.constant 0 : i32
        %scan3A_194 = arith.constant 0 : i32
        %scan3A_195 = arith.constant 8 : i32
        %scan3A_196 = arith.addi %scan3A_194, %scan3A_195 : i32
        %scan3A_197 = arith.constant 1 : i32
        scf.for %scan3A_202 = %scan3A_194 to %scan3A_196 step %scan3A_197  : i32 {
          %mul3A_203 = arith.constant 16 : i32
          %mul3A_204 = arith.muli %scan3A_202, %mul3A_203 : i32
          %get3A = arith.index_cast %mul3A_204 : i32 to index
          %get3A_205 = tpu.vector_load %arg11[%get3A] {strides = array<i32>} : memref<128xi32, #tpu.memory_space<vmem>>, vector<16xi32>,
          %get3A_206 = vector.shape_cast %get3A_205 : vector<16xi32> to vector<16xi32>
          %sub3A_207 = vector.broadcast %mul3A_0 : i32 to vector<16xi32>
          %sub3A_208 = arith.subi %get3A_206, %sub3A_207 : vector<16xi32>
          %ge3A_209 = arith.constant 0 : i32
          %ge3A_210 = vector.broadcast %ge3A_209 : i32 to vector<16xi32>
          %ge3A_211 = arith.cmpi sge, %sub3A_208, %ge3A_210 : vector<16xi32>
          %lt3A_212 = arith.constant 5000 : i32
          %lt3A_213 = vector.broadcast %lt3A_212 : i32 to vector<16xi32>
          %lt3A_214 = arith.cmpi slt, %sub3A_208, %lt3A_213 : vector<16xi32>
          %and3A_215 = arith.andi %ge3A_211, %lt3A_214 : vector<16xi1>
          %jit3A_216 = arith.constant 5000 : i32
          %broadcast_in_dim3A = vector.broadcast %jit3A_216 : i32 to vector<16xi32>
          %select_n3A_217 = arith.select %and3A_215, %sub3A_208, %broadcast_in_dim3A : vector<16xi1>, vector<16xi32>
          %mul3A_218 = arith.constant 16 : i32
          %mul3A_219 = arith.muli %scan3A_202, %mul3A_218 : i32
          %swap3A = arith.index_cast %mul3A_219 : i32 to index
          %swap3A_220 = tpu.vector_load %arg11[%swap3A] {strides = array<i32>} : memref<128xi32, #tpu.memory_space<vmem>>, vector<16xi32>,
          %swap3A_221 = vector.shape_cast %swap3A_220 : vector<16xi32> to vector<16xi32>
          %swap3A_222 = vector.shape_cast %select_n3A_217 : vector<16xi32> to vector<16xi32>
          tpu.vector_store %arg11[%swap3A], %swap3A_222 {strides = array<i32>} : memref<128xi32, #tpu.memory_space<vmem>>, vector<16xi32>,
        }
        %scan3A_198 = arith.constant 8 : i32
        %dma_start3A_199 = arith.constant 0 : i32
        %dma_start3A_200 = arith.constant 0 : i32
        %dma_start3A_201 = tpu.memref_slice %arg16[%dma_start3A_199, %dma_start3A_200] : memref<5008x128xf32, #tpu.memory_space<vmem_shared>> -> memref<5008x128xf32, #tpu.memory_space<vmem_shared>>
        tpu.enqueue_indirect_dma source(%arg15 : memref<128x128xf32, #tpu.memory_space<vmem>>) target(%dma_start3A_201 : memref<5008x128xf32, #tpu.memory_space<vmem_shared>>) offsets(%arg11 : memref<128xi32, #tpu.memory_space<vmem>>) semaphore(%arg25 : memref<!tpu.dma_semaphore, #tpu.memory_space<semaphore_mem>>) {add = true}
      } else {
      }
      %ge3A_170 = arith.constant 3 : i32
      %ge3A_171 = arith.cmpi sge, %add3A_165, %ge3A_170 : i32
      %sub3A_172 = arith.constant 3 : i32
      %sub3A_173 = arith.subi %add3A_165, %sub3A_172 : i32
      %lt3A_174 = arith.cmpi slt, %sub3A_173, %select_n3A : i32
      %and3A_175 = arith.andi %ge3A_171, %lt3A_174 : i1
      %convert_element_type3A_176 = arith.extui %and3A_175 : i1 to i32
      %cond3A_177 = arith.constant 0 : i32
      %cond3A_178 = arith.cmpi ne, %convert_element_type3A_176, %cond3A_177 : i32
      scf.if %cond3A_178 {
        %dma_wait3A = arith.constant 0 : i32
        %dma_wait3A_185 = arith.constant 0 : i32
        %dma_wait3A_186 = tpu.memref_slice %arg16[%dma_wait3A, %dma_wait3A_185] : memref<5008x128xf32, #tpu.memory_space<vmem_shared>> -> memref<5008x128xf32, #tpu.memory_space<vmem_shared>>
        tpu.wait_indirect_dma semaphore(%arg22 : memref<!tpu.dma_semaphore, #tpu.memory_space<semaphore_mem>>) src(%arg12 : memref<128x128xf32, #tpu.memory_space<vmem>>) dst(%dma_wait3A_186 : memref<5008x128xf32, #tpu.memory_space<vmem_shared>>)
      } else {
      }
      %add3A_179 = arith.constant 1 : i32
      %add3A_180 = arith.addi %add3A_165, %add3A_179 : i32
      %lt3A_181 = arith.cmpi slt, %add3A_180, %select_n3A : i32
      %convert_element_type3A_182 = arith.extui %lt3A_181 : i1 to i32
      %cond3A_183 = arith.constant 0 : i32
      %cond3A_184 = arith.cmpi ne, %convert_element_type3A_182, %cond3A_183 : i32
      scf.if %cond3A_184 {
        %add3A_185 = arith.constant 1 : i32
        %add3A_186 = arith.addi %add3A_165, %add3A_185 : i32
        %mul3A_187 = arith.constant 16 : i32
        %mul3A_188 = arith.muli %add3A_186, %mul3A_187 : i32
        %add3A_189 = arith.addi %arg1, %mul3A_188 : i32
        %mul3A_190 = arith.constant 128 : i32
        %mul3A_191 = arith.muli %add3A_189, %mul3A_190 : i32
        %multiple_of3A_192 = tpu.assume_multiple %mul3A_191, 128 : i32
        %dma_start3A_193 = tpu.memref_slice %arg4[%multiple_of3A_192] : memref<160000xi32, #tpu.memory_space<hbm>> -> memref<128xi32, #tpu.memory_space<hbm>>
        %dma_start3A_194 = tpu.memref_slice %arg4[%multiple_of3A_192] : memref<160000xi32, #tpu.memory_space<hbm>> -> memref<128xi32, #tpu.memory_space<hbm>>
        tpu.enqueue_dma source(%dma_start3A_194 : memref<128xi32, #tpu.memory_space<hbm>>) target(%arg8 : memref<128xi32, #tpu.memory_space<vmem>>) target_semaphore(%arg26 : memref<!tpu.dma_semaphore, #tpu.memory_space<semaphore_mem>>)
        %add3A_195 = arith.constant 1 : i32
        %add3A_196 = arith.addi %add3A_165, %add3A_195 : i32
        %mul3A_197 = arith.constant 128 : i32
        %mul3A_198 = arith.muli %add3A_196, %mul3A_197 : i32
        %multiple_of3A_199 = tpu.assume_multiple %mul3A_198, 8 : i32
        %dma_start3A_200 = tpu.memref_slice %arg7[%multiple_of3A_199] : memref<10112xi32, #tpu.memory_space<vmem>> -> memref<128xi32, #tpu.memory_space<vmem>>
        %dma_start3A_201 = arith.constant 0 : i32
        %dma_start3A_202 = arith.constant 0 : i32
        %dma_start3A_203 = tpu.memref_slice %arg2[%dma_start3A_201, %dma_start3A_202] : memref<20000x128xf32, #tpu.memory_space<hbm>> -> memref<20000x128xf32, #tpu.memory_space<hbm>>
        tpu.enqueue_indirect_dma source(%dma_start3A_203 : memref<20000x128xf32, #tpu.memory_space<hbm>>) target(%arg12 : memref<128x128xf32, #tpu.memory_space<vmem>>) offsets(%dma_start3A_200 : memref<128xi32, #tpu.memory_space<vmem>>) semaphore(%arg18 : memref<!tpu.dma_semaphore, #tpu.memory_space<semaphore_mem>>)
      } else {
      }
    }
    %scan3A_85 = arith.constant 21 : i32
    %barrier3A_86 = arith.constant 0 : index
    tpu.barrier barrier_id(%barrier3A_86)
    %add3A_87 = arith.addi %mul3A_0, %mul3A_23 : i32
    %run_scoped3A_88 = arith.constant 1 : i32
    "tpu.region"() ({
      %run_scoped3A_95 = tpu.sem_alloc : memref<!tpu.dma_semaphore, #tpu.memory_space<semaphore_mem>>
      %dma_start3A_96 = arith.constant 0 : i32
      %dma_start3A_97 = tpu.memref_slice %arg6[%run_scoped3A_88, %add3A_87, %dma_start3A_96] : memref<2x10000x128xf32, #tpu.memory_space<hbm>> -> memref<1x312x128xf32, #tpu.memory_space<hbm>>
      %dma_start3A_98 = tpu.memref_squeeze %dma_start3A_97 : memref<1x312x128xf32, #tpu.memory_space<hbm>> -> memref<312x128xf32, #tpu.memory_space<hbm>>
      %dma_start3A_99 = arith.constant 0 : i32
      %dma_start3A_100 = tpu.memref_slice %arg16[%mul3A_23, %dma_start3A_99] : memref<5008x128xf32, #tpu.memory_space<vmem_shared>> -> memref<312x128xf32, #tpu.memory_space<vmem_shared>>
      tpu.enqueue_dma source(%dma_start3A_100 : memref<312x128xf32, #tpu.memory_space<vmem_shared>>) target(%dma_start3A_98 : memref<312x128xf32, #tpu.memory_space<hbm>>) target_semaphore(%run_scoped3A_95 : memref<!tpu.dma_semaphore, #tpu.memory_space<semaphore_mem>>)
      %dma_wait3A = arith.constant 0 : i32
      %dma_wait3A_101 = tpu.memref_slice %arg6[%run_scoped3A_88, %add3A_87, %dma_wait3A] : memref<2x10000x128xf32, #tpu.memory_space<hbm>> -> memref<1x312x128xf32, #tpu.memory_space<hbm>>
      %dma_wait3A_102 = tpu.memref_squeeze %dma_wait3A_101 : memref<1x312x128xf32, #tpu.memory_space<hbm>> -> memref<312x128xf32, #tpu.memory_space<hbm>>
      %dma_wait3A_103 = arith.constant 0 : i32
      %dma_wait3A_104 = tpu.memref_slice %arg16[%mul3A_23, %dma_wait3A_103] : memref<5008x128xf32, #tpu.memory_space<vmem_shared>> -> memref<312x128xf32, #tpu.memory_space<vmem_shared>>
      tpu.wait_dma2 semaphore(%run_scoped3A_95 : memref<!tpu.dma_semaphore, #tpu.memory_space<semaphore_mem>>) src(%dma_wait3A_104 : memref<312x128xf32, #tpu.memory_space<vmem_shared>>) dst(%dma_wait3A_102 : memref<312x128xf32, #tpu.memory_space<hbm>>)
      tpu.yield
    }) : () -> ()
    %eq3A_89 = arith.constant 15 : i32
    %eq3A_90 = arith.cmpi eq, %arg1, %eq3A_89 : i32
    %convert_element_type3A_91 = arith.extui %eq3A_90 : i1 to i32
    %cond3A_92 = arith.constant 0 : i32
    %cond3A_93 = arith.cmpi ne, %convert_element_type3A_91, %cond3A_92 : i32
    scf.if %cond3A_93 {
      %add3A_95 = arith.constant 4992 : i32
      %add3A_96 = arith.addi %mul3A_0, %add3A_95 : i32
      %run_scoped3A_97 = arith.constant 1 : i32
      "tpu.region"() ({
        %run_scoped3A_98 = tpu.sem_alloc : memref<!tpu.dma_semaphore, #tpu.memory_space<semaphore_mem>>
        %dma_start3A_99 = arith.constant 0 : i32
        %dma_start3A_100 = tpu.memref_slice %arg6[%run_scoped3A_97, %add3A_96, %dma_start3A_99] : memref<2x10000x128xf32, #tpu.memory_space<hbm>> -> memref<1x8x128xf32, #tpu.memory_space<hbm>>
        %dma_start3A_101 = tpu.memref_squeeze %dma_start3A_100 : memref<1x8x128xf32, #tpu.memory_space<hbm>> -> memref<8x128xf32, #tpu.memory_space<hbm>>
        %dma_start3A_102 = arith.constant 4992 : i32
        %dma_start3A_103 = arith.constant 0 : i32
        %dma_start3A_104 = tpu.memref_slice %arg16[%dma_start3A_102, %dma_start3A_103] : memref<5008x128xf32, #tpu.memory_space<vmem_shared>> -> memref<8x128xf32, #tpu.memory_space<vmem_shared>>
        tpu.enqueue_dma source(%dma_start3A_104 : memref<8x128xf32, #tpu.memory_space<vmem_shared>>) target(%dma_start3A_101 : memref<8x128xf32, #tpu.memory_space<hbm>>) target_semaphore(%run_scoped3A_98 : memref<!tpu.dma_semaphore, #tpu.memory_space<semaphore_mem>>)
        %dma_wait3A = arith.constant 0 : i32
        %dma_wait3A_105 = tpu.memref_slice %arg6[%run_scoped3A_97, %add3A_96, %dma_wait3A] : memref<2x10000x128xf32, #tpu.memory_space<hbm>> -> memref<1x8x128xf32, #tpu.memory_space<hbm>>
        %dma_wait3A_106 = tpu.memref_squeeze %dma_wait3A_105 : memref<1x8x128xf32, #tpu.memory_space<hbm>> -> memref<8x128xf32, #tpu.memory_space<hbm>>
        %dma_wait3A_107 = arith.constant 4992 : i32
        %dma_wait3A_108 = arith.constant 0 : i32
        %dma_wait3A_109 = tpu.memref_slice %arg16[%dma_wait3A_107, %dma_wait3A_108] : memref<5008x128xf32, #tpu.memory_space<vmem_shared>> -> memref<8x128xf32, #tpu.memory_space<vmem_shared>>
        tpu.wait_dma2 semaphore(%run_scoped3A_98 : memref<!tpu.dma_semaphore, #tpu.memory_space<semaphore_mem>>) src(%dma_wait3A_109 : memref<8x128xf32, #tpu.memory_space<vmem_shared>>) dst(%dma_wait3A_106 : memref<8x128xf32, #tpu.memory_space<hbm>>)
        tpu.yield
      }) : () -> ()
    } else {
    }
    %barrier3A_94 = arith.constant 0 : index
    tpu.barrier barrier_id(%barrier3A_94)
    return
  }
}

module attributes {stable_mosaic.version = 14 : i64} {
  func.func @_mlp_body(%arg0: i32, %arg1: i32, %arg2: memref<1x1xf32, #tpu.memory_space<vmem>>, %arg3: memref<1000x256xf32, #tpu.memory_space<vmem>>, %arg4: memref<1x1000x128xf32, #tpu.memory_space<vmem>>, %arg5: memref<1x1000x128xf32, #tpu.memory_space<vmem>>, %arg6: memref<128x512xf32, #tpu.memory_space<vmem>>, %arg7: memref<128x512xf32, #tpu.memory_space<vmem>>, %arg8: memref<1x512xf32, #tpu.memory_space<vmem>>, %arg9: memref<512x256xf32, #tpu.memory_space<vmem>>, %arg10: memref<1x256xf32, #tpu.memory_space<vmem>>, %arg11: memref<1x512xf32, #tpu.memory_space<vmem>>, %arg12: memref<1x512xf32, #tpu.memory_space<vmem>>, %arg13: memref<1x256xf32, #tpu.memory_space<vmem>>, %arg14: memref<1x256xf32, #tpu.memory_space<vmem>>, %arg15: memref<1000x256xf32, #tpu.memory_space<vmem>>, %arg16: memref<10000x512xf32, #tpu.memory_space<vmem>>, %arg17: memref<10000x256xf32, #tpu.memory_space<vmem>>, %arg18: memref<1x512xf32, #tpu.memory_space<vmem>>, %arg19: memref<1x512xf32, #tpu.memory_space<vmem>>, %arg20: memref<1x256xf32, #tpu.memory_space<vmem>>, %arg21: memref<1x256xf32, #tpu.memory_space<vmem>>, %arg22: memref<2x512xf32, #tpu.memory_space<vmem>>, %arg23: memref<2x256xf32, #tpu.memory_space<vmem>>) attributes {dimension_semantics = [#tpu.dimension_semantics<arbitrary>, #tpu.dimension_semantics<arbitrary>], iteration_bounds = array<i64: 3, 10>, scalar_prefetch = 0 : i64, scratch_operands = 8 : i64, tpu.core_type = #tpu.core_type<tc>, window_params = [{pipeline_mode = #tpu.pipeline_mode<synchronous>, transform_indices = @transform_0, window_bounds = array<i64: 1, 1>}, {transform_indices = @transform_1, window_bounds = array<i64: 1000, 256>}, {transform_indices = @transform_2, window_bounds = array<i64: 1, 1000, 128>}, {transform_indices = @transform_3, window_bounds = array<i64: 1, 1000, 128>}, {transform_indices = @transform_4, window_bounds = array<i64: 128, 512>}, {transform_indices = @transform_5, window_bounds = array<i64: 128, 512>}, {pipeline_mode = #tpu.pipeline_mode<synchronous>, transform_indices = @transform_6, window_bounds = array<i64: 1, 512>}, {pipeline_mode = #tpu.pipeline_mode<synchronous>, transform_indices = @transform_7, window_bounds = array<i64: 512, 256>}, {pipeline_mode = #tpu.pipeline_mode<synchronous>, transform_indices = @transform_8, window_bounds = array<i64: 1, 256>}, {pipeline_mode = #tpu.pipeline_mode<synchronous>, transform_indices = @transform_9, window_bounds = array<i64: 1, 512>}, {pipeline_mode = #tpu.pipeline_mode<synchronous>, transform_indices = @transform_10, window_bounds = array<i64: 1, 512>}, {pipeline_mode = #tpu.pipeline_mode<synchronous>, transform_indices = @transform_11, window_bounds = array<i64: 1, 256>}, {pipeline_mode = #tpu.pipeline_mode<synchronous>, transform_indices = @transform_12, window_bounds = array<i64: 1, 256>}, {transform_indices = @transform_13, window_bounds = array<i64: 1000, 256>}]} {
    %eq3A = arith.constant 0 : i32
    %eq3A_0 = arith.cmpi eq, %arg0, %eq3A : i32
    %convert_element_type3A = arith.extui %eq3A_0 : i1 to i32
    %cond3A = arith.constant 0 : i32
    %cond3A_1 = arith.cmpi ne, %convert_element_type3A, %cond3A : i32
    scf.if %cond3A_1 {
      %get3A = arith.constant 0 : index
      %get3A_12 = arith.constant 0 : index
      %get3A_13 = vector.load %arg2[%get3A, %get3A_12] : memref<1x1xf32, #tpu.memory_space<vmem>>, vector<1x1xf32>
      %get3A_14 = vector.extract %get3A_13[0, 0] : f32 from vector<1x1xf32>
      %add3A = arith.constant 1.000000e+00 : f32
      %add3A_15 = arith.addf %add3A, %get3A_14 : f32
      %get3A_16 = arith.constant 0 : index
      %get3A_17 = arith.constant 0 : index
      %get3A_18 = vector.load %arg3[%get3A_16, %get3A_17] : memref<1000x256xf32, #tpu.memory_space<vmem>>, vector<1000x256xf32>
      %mul3A = vector.broadcast %add3A_15 : f32 to vector<1000x256xf32>
      %mul3A_19 = arith.mulf %get3A_18, %mul3A : vector<1000x256xf32>
      %slice3A = vector.extract_strided_slice %mul3A_19 {offsets = [0, 0], sizes = [1000, 128], strides = [1, 1]} : vector<1000x256xf32> to vector<1000x128xf32>
      %get3A_20 = arith.constant 0 : index
      %get3A_21 = arith.constant 0 : index
      %get3A_22 = arith.constant 0 : index
      %get3A_23 = vector.load %arg4[%get3A_20, %get3A_21, %get3A_22] : memref<1x1000x128xf32, #tpu.memory_space<vmem>>, vector<1x1000x128xf32>
      %get3A_24 = vector.shape_cast %get3A_23 : vector<1x1000x128xf32> to vector<1000x128xf32>
      %add3A_25 = arith.addf %slice3A, %get3A_24 : vector<1000x128xf32>
      %slice3A_26 = vector.extract_strided_slice %mul3A_19 {offsets = [0, 128], sizes = [1000, 128], strides = [1, 1]} : vector<1000x256xf32> to vector<1000x128xf32>
      %get3A_27 = arith.constant 0 : index
      %get3A_28 = arith.constant 0 : index
      %get3A_29 = arith.constant 0 : index
      %get3A_30 = vector.load %arg5[%get3A_27, %get3A_28, %get3A_29] : memref<1x1000x128xf32, #tpu.memory_space<vmem>>, vector<1x1000x128xf32>
      %get3A_31 = vector.shape_cast %get3A_30 : vector<1x1000x128xf32> to vector<1000x128xf32>
      %add3A_32 = arith.addf %slice3A_26, %get3A_31 : vector<1000x128xf32>
      %get3A_33 = arith.constant 0 : index
      %get3A_34 = arith.constant 0 : index
      %get3A_35 = vector.load %arg6[%get3A_33, %get3A_34] : memref<128x512xf32, #tpu.memory_space<vmem>>, vector<128x512xf32>
      %dot_general3A = arith.constant dense<0.000000e+00> : vector<1000x512xf32>
      %dot_general3A_36 = tpu.matmul %add3A_25, %get3A_35, %dot_general3A {dimension_numbers = #tpu.dot_dimension_numbers<[1], [0], [0], [1], [0, 0, 1, 1], [], []>, transpose_lhs_hint = false} : vector<1000x128xf32>, vector<128x512xf32>, vector<1000x512xf32> -> vector<1000x512xf32>
      %get3A_37 = arith.constant 0 : index
      %get3A_38 = arith.constant 0 : index
      %get3A_39 = vector.load %arg7[%get3A_37, %get3A_38] : memref<128x512xf32, #tpu.memory_space<vmem>>, vector<128x512xf32>
      %dot_general3A_40 = arith.constant dense<0.000000e+00> : vector<1000x512xf32>
      %dot_general3A_41 = tpu.matmul %add3A_32, %get3A_39, %dot_general3A_40 {dimension_numbers = #tpu.dot_dimension_numbers<[1], [0], [0], [1], [0, 0, 1, 1], [], []>, transpose_lhs_hint = false} : vector<1000x128xf32>, vector<128x512xf32>, vector<1000x512xf32> -> vector<1000x512xf32>
      %add3A_42 = arith.addf %dot_general3A_36, %dot_general3A_41 : vector<1000x512xf32>
      %get3A_43 = arith.constant 0 : index
      %get3A_44 = arith.constant 0 : index
      %get3A_45 = vector.load %arg8[%get3A_43, %get3A_44] : memref<1x512xf32, #tpu.memory_space<vmem>>, vector<1x512xf32>
      %add3A_46 = vector.broadcast %get3A_45 : vector<1x512xf32> to vector<1000x512xf32>
      %add3A_47 = arith.addf %add3A_42, %add3A_46 : vector<1000x512xf32>
      %mul3A_48 = arith.constant 1000 : i32
      %mul3A_49 = arith.muli %arg1, %mul3A_48 : i32
      %swap3A = arith.index_cast %mul3A_49 : i32 to index
      %swap3A_50 = arith.constant 0 : index
      %swap3A_51 = vector.load %arg16[%swap3A, %swap3A_50] : memref<10000x512xf32, #tpu.memory_space<vmem>>, vector<1000x512xf32>
      tpu.vector_store %arg16[%swap3A, %swap3A_50], %add3A_47 {strides = array<i32>} : memref<10000x512xf32, #tpu.memory_space<vmem>>, vector<1000x512xf32>,
      %reduce_sum3A = arith.constant dense<0.000000e+00> : vector<512xf32>
      %reduce_sum3A_52 = vector.multi_reduction <add>, %add3A_47, %reduce_sum3A [0] : vector<1000x512xf32> to vector<512xf32>
      %broadcast_in_dim3A = vector.shape_cast %reduce_sum3A_52 : vector<512xf32> to vector<1x512xf32>
      %mul3A_53 = arith.mulf %add3A_47, %add3A_47 : vector<1000x512xf32>
      %reduce_sum3A_54 = arith.constant dense<0.000000e+00> : vector<512xf32>
      %reduce_sum3A_55 = vector.multi_reduction <add>, %mul3A_53, %reduce_sum3A_54 [0] : vector<1000x512xf32> to vector<512xf32>
      %broadcast_in_dim3A_56 = vector.shape_cast %reduce_sum3A_55 : vector<512xf32> to vector<1x512xf32>
      %eq3A_57 = arith.constant 0 : i32
      %eq3A_58 = arith.cmpi eq, %arg1, %eq3A_57 : i32
      %convert_element_type3A_59 = arith.extui %eq3A_58 : i1 to i32
      %cond3A_60 = arith.constant 0 : i32
      %cond3A_61 = arith.cmpi ne, %convert_element_type3A_59, %cond3A_60 : i32
      scf.if %cond3A_61 {
        %swap3A_66 = arith.constant 0 : index
        %swap3A_67 = arith.constant 0 : index
        %swap3A_68 = vector.load %arg18[%swap3A_66, %swap3A_67] : memref<1x512xf32, #tpu.memory_space<vmem>>, vector<1x512xf32>
        tpu.vector_store %arg18[%swap3A_66, %swap3A_67], %broadcast_in_dim3A {strides = array<i32>} : memref<1x512xf32, #tpu.memory_space<vmem>>, vector<1x512xf32>,
        %swap3A_69 = arith.constant 0 : index
        %swap3A_70 = arith.constant 0 : index
        %swap3A_71 = vector.load %arg19[%swap3A_69, %swap3A_70] : memref<1x512xf32, #tpu.memory_space<vmem>>, vector<1x512xf32>
        tpu.vector_store %arg19[%swap3A_69, %swap3A_70], %broadcast_in_dim3A_56 {strides = array<i32>} : memref<1x512xf32, #tpu.memory_space<vmem>>, vector<1x512xf32>,
      } else {
      }
      %ne3A = arith.constant 0 : i32
      %ne3A_62 = arith.cmpi ne, %arg1, %ne3A : i32
      %convert_element_type3A_63 = arith.extui %ne3A_62 : i1 to i32
      %cond3A_64 = arith.constant 0 : i32
      %cond3A_65 = arith.cmpi ne, %convert_element_type3A_63, %cond3A_64 : i32
      scf.if %cond3A_65 {
        %get3A_66 = arith.constant 0 : index
        %get3A_67 = arith.constant 0 : index
        %get3A_68 = vector.load %arg18[%get3A_66, %get3A_67] : memref<1x512xf32, #tpu.memory_space<vmem>>, vector<1x512xf32>
        %add3A_69 = arith.addf %get3A_68, %broadcast_in_dim3A : vector<1x512xf32>
        %swap3A_70 = arith.constant 0 : index
        %swap3A_71 = arith.constant 0 : index
        %swap3A_72 = vector.load %arg18[%swap3A_70, %swap3A_71] : memref<1x512xf32, #tpu.memory_space<vmem>>, vector<1x512xf32>
        tpu.vector_store %arg18[%swap3A_70, %swap3A_71], %add3A_69 {strides = array<i32>} : memref<1x512xf32, #tpu.memory_space<vmem>>, vector<1x512xf32>,
        %get3A_73 = arith.constant 0 : index
        %get3A_74 = arith.constant 0 : index
        %get3A_75 = vector.load %arg19[%get3A_73, %get3A_74] : memref<1x512xf32, #tpu.memory_space<vmem>>, vector<1x512xf32>
        %add3A_76 = arith.addf %get3A_75, %broadcast_in_dim3A_56 : vector<1x512xf32>
        %swap3A_77 = arith.constant 0 : index
        %swap3A_78 = arith.constant 0 : index
        %swap3A_79 = vector.load %arg19[%swap3A_77, %swap3A_78] : memref<1x512xf32, #tpu.memory_space<vmem>>, vector<1x512xf32>
        tpu.vector_store %arg19[%swap3A_77, %swap3A_78], %add3A_76 {strides = array<i32>} : memref<1x512xf32, #tpu.memory_space<vmem>>, vector<1x512xf32>,
      } else {
      }
    } else {
    }
    %eq3A_2 = arith.constant 1 : i32
    %eq3A_3 = arith.cmpi eq, %arg0, %eq3A_2 : i32
    %convert_element_type3A_4 = arith.extui %eq3A_3 : i1 to i32
    %cond3A_5 = arith.constant 0 : i32
    %cond3A_6 = arith.cmpi ne, %convert_element_type3A_4, %cond3A_5 : i32
    scf.if %cond3A_6 {
      %eq3A_12 = arith.constant 0 : i32
      %eq3A_13 = arith.cmpi eq, %arg1, %eq3A_12 : i32
      %convert_element_type3A_14 = arith.extui %eq3A_13 : i1 to i32
      %cond3A_15 = arith.constant 0 : i32
      %cond3A_16 = arith.cmpi ne, %convert_element_type3A_14, %cond3A_15 : i32
      scf.if %cond3A_16 {
        %get3A_62 = arith.constant 0 : index
        %get3A_63 = arith.constant 0 : index
        %get3A_64 = vector.load %arg18[%get3A_62, %get3A_63] : memref<1x512xf32, #tpu.memory_space<vmem>>, vector<1x512xf32>
        %div3A = arith.constant 1.000000e+04 : f32
        %div3A_65 = vector.broadcast %div3A : f32 to vector<1x512xf32>
        %div3A_66 = arith.divf %get3A_64, %div3A_65 : vector<1x512xf32>
        %get3A_67 = arith.constant 0 : index
        %get3A_68 = arith.constant 0 : index
        %get3A_69 = vector.load %arg19[%get3A_67, %get3A_68] : memref<1x512xf32, #tpu.memory_space<vmem>>, vector<1x512xf32>
        %div3A_70 = arith.constant 1.000000e+04 : f32
        %div3A_71 = vector.broadcast %div3A_70 : f32 to vector<1x512xf32>
        %div3A_72 = arith.divf %get3A_69, %div3A_71 : vector<1x512xf32>
        %mul3A_73 = arith.mulf %div3A_66, %div3A_66 : vector<1x512xf32>
        %sub3A = arith.subf %div3A_72, %mul3A_73 : vector<1x512xf32>
        %get3A_74 = arith.constant 0 : index
        %get3A_75 = arith.constant 0 : index
        %get3A_76 = vector.load %arg11[%get3A_74, %get3A_75] : memref<1x512xf32, #tpu.memory_space<vmem>>, vector<1x512xf32>
        %add3A_77 = arith.constant 9.99999974E-6 : f32
        %add3A_78 = vector.broadcast %add3A_77 : f32 to vector<1x512xf32>
        %add3A_79 = arith.addf %sub3A, %add3A_78 : vector<1x512xf32>
        %rsqrt3A = math.rsqrt %add3A_79 : vector<1x512xf32>
        %mul3A_80 = arith.mulf %get3A_76, %rsqrt3A : vector<1x512xf32>
        %swap3A_81 = arith.constant 0 : index
        %swap3A_82 = arith.constant 0 : index
        %swap3A_83 = vector.load %arg22[%swap3A_81, %swap3A_82] : memref<2x512xf32, #tpu.memory_space<vmem>>, vector<1x512xf32>
        tpu.vector_store %arg22[%swap3A_81, %swap3A_82], %mul3A_80 {strides = array<i32>} : memref<2x512xf32, #tpu.memory_space<vmem>>, vector<1x512xf32>,
        %get3A_84 = arith.constant 0 : index
        %get3A_85 = arith.constant 0 : index
        %get3A_86 = vector.load %arg12[%get3A_84, %get3A_85] : memref<1x512xf32, #tpu.memory_space<vmem>>, vector<1x512xf32>
        %mul3A_87 = arith.mulf %div3A_66, %mul3A_80 : vector<1x512xf32>
        %sub3A_88 = arith.subf %get3A_86, %mul3A_87 : vector<1x512xf32>
        %swap3A_89 = arith.constant 1 : index
        %swap3A_90 = arith.constant 0 : index
        %swap3A_91 = vector.load %arg22[%swap3A_89, %swap3A_90] : memref<2x512xf32, #tpu.memory_space<vmem>>, vector<1x512xf32>
        tpu.vector_store %arg22[%swap3A_89, %swap3A_90], %sub3A_88 {strides = array<i32>} : memref<2x512xf32, #tpu.memory_space<vmem>>, vector<1x512xf32>,
      } else {
      }
      %mul3A = arith.constant 1000 : i32
      %mul3A_17 = arith.muli %arg1, %mul3A : i32
      %get3A = arith.index_cast %mul3A_17 : i32 to index
      %get3A_18 = arith.constant 0 : index
      %get3A_19 = vector.load %arg16[%get3A, %get3A_18] : memref<10000x512xf32, #tpu.memory_space<vmem>>, vector<1000x512xf32>
      %get3A_20 = arith.constant 0 : index
      %get3A_21 = arith.constant 0 : index
      %get3A_22 = vector.load %arg22[%get3A_20, %get3A_21] : memref<2x512xf32, #tpu.memory_space<vmem>>, vector<1x512xf32>
      %mul3A_23 = vector.broadcast %get3A_22 : vector<1x512xf32> to vector<1000x512xf32>
      %mul3A_24 = arith.mulf %get3A_19, %mul3A_23 : vector<1000x512xf32>
      %get3A_25 = arith.constant 1 : index
      %get3A_26 = arith.constant 0 : index
      %get3A_27 = vector.load %arg22[%get3A_25, %get3A_26] : memref<2x512xf32, #tpu.memory_space<vmem>>, vector<1x512xf32>
      %add3A = vector.broadcast %get3A_27 : vector<1x512xf32> to vector<1000x512xf32>
      %add3A_28 = arith.addf %mul3A_24, %add3A : vector<1000x512xf32>
      %max3A = arith.constant 0.000000e+00 : f32
      %max3A_29 = vector.broadcast %max3A : f32 to vector<1000x512xf32>
      %max3A_30 = arith.maximumf %add3A_28, %max3A_29 : vector<1000x512xf32>
      %get3A_31 = arith.constant 0 : index
      %get3A_32 = arith.constant 0 : index
      %get3A_33 = vector.load %arg9[%get3A_31, %get3A_32] : memref<512x256xf32, #tpu.memory_space<vmem>>, vector<512x256xf32>
      %dot_general3A = arith.constant dense<0.000000e+00> : vector<1000x256xf32>
      %dot_general3A_34 = tpu.matmul %max3A_30, %get3A_33, %dot_general3A {dimension_numbers = #tpu.dot_dimension_numbers<[1], [0], [0], [1], [0, 0, 1, 1], [], []>, transpose_lhs_hint = false} : vector<1000x512xf32>, vector<512x256xf32>, vector<1000x256xf32> -> vector<1000x256xf32>
      %get3A_35 = arith.constant 0 : index
      %get3A_36 = arith.constant 0 : index
      %get3A_37 = vector.load %arg10[%get3A_35, %get3A_36] : memref<1x256xf32, #tpu.memory_space<vmem>>, vector<1x256xf32>
      %add3A_38 = vector.broadcast %get3A_37 : vector<1x256xf32> to vector<1000x256xf32>
      %add3A_39 = arith.addf %dot_general3A_34, %add3A_38 : vector<1000x256xf32>
      %get3A_40 = arith.constant 0 : index
      %get3A_41 = arith.constant 0 : index
      %get3A_42 = vector.load %arg3[%get3A_40, %get3A_41] : memref<1000x256xf32, #tpu.memory_space<vmem>>, vector<1000x256xf32>
      %add3A_43 = arith.addf %add3A_39, %get3A_42 : vector<1000x256xf32>
      %mul3A_44 = arith.constant 1000 : i32
      %mul3A_45 = arith.muli %arg1, %mul3A_44 : i32
      %swap3A = arith.index_cast %mul3A_45 : i32 to index
      %swap3A_46 = arith.constant 0 : index
      %swap3A_47 = vector.load %arg17[%swap3A, %swap3A_46] : memref<10000x256xf32, #tpu.memory_space<vmem>>, vector<1000x256xf32>
      tpu.vector_store %arg17[%swap3A, %swap3A_46], %add3A_43 {strides = array<i32>} : memref<10000x256xf32, #tpu.memory_space<vmem>>, vector<1000x256xf32>,
      %reduce_sum3A = arith.constant dense<0.000000e+00> : vector<256xf32>
      %reduce_sum3A_48 = vector.multi_reduction <add>, %add3A_43, %reduce_sum3A [0] : vector<1000x256xf32> to vector<256xf32>
      %broadcast_in_dim3A = vector.shape_cast %reduce_sum3A_48 : vector<256xf32> to vector<1x256xf32>
      %mul3A_49 = arith.mulf %add3A_43, %add3A_43 : vector<1000x256xf32>
      %reduce_sum3A_50 = arith.constant dense<0.000000e+00> : vector<256xf32>
      %reduce_sum3A_51 = vector.multi_reduction <add>, %mul3A_49, %reduce_sum3A_50 [0] : vector<1000x256xf32> to vector<256xf32>
      %broadcast_in_dim3A_52 = vector.shape_cast %reduce_sum3A_51 : vector<256xf32> to vector<1x256xf32>
      %eq3A_53 = arith.constant 0 : i32
      %eq3A_54 = arith.cmpi eq, %arg1, %eq3A_53 : i32
      %convert_element_type3A_55 = arith.extui %eq3A_54 : i1 to i32
      %cond3A_56 = arith.constant 0 : i32
      %cond3A_57 = arith.cmpi ne, %convert_element_type3A_55, %cond3A_56 : i32
      scf.if %cond3A_57 {
        %swap3A_62 = arith.constant 0 : index
        %swap3A_63 = arith.constant 0 : index
        %swap3A_64 = vector.load %arg20[%swap3A_62, %swap3A_63] : memref<1x256xf32, #tpu.memory_space<vmem>>, vector<1x256xf32>
        tpu.vector_store %arg20[%swap3A_62, %swap3A_63], %broadcast_in_dim3A {strides = array<i32>} : memref<1x256xf32, #tpu.memory_space<vmem>>, vector<1x256xf32>,
        %swap3A_65 = arith.constant 0 : index
        %swap3A_66 = arith.constant 0 : index
        %swap3A_67 = vector.load %arg21[%swap3A_65, %swap3A_66] : memref<1x256xf32, #tpu.memory_space<vmem>>, vector<1x256xf32>
        tpu.vector_store %arg21[%swap3A_65, %swap3A_66], %broadcast_in_dim3A_52 {strides = array<i32>} : memref<1x256xf32, #tpu.memory_space<vmem>>, vector<1x256xf32>,
      } else {
      }
      %ne3A = arith.constant 0 : i32
      %ne3A_58 = arith.cmpi ne, %arg1, %ne3A : i32
      %convert_element_type3A_59 = arith.extui %ne3A_58 : i1 to i32
      %cond3A_60 = arith.constant 0 : i32
      %cond3A_61 = arith.cmpi ne, %convert_element_type3A_59, %cond3A_60 : i32
      scf.if %cond3A_61 {
        %get3A_62 = arith.constant 0 : index
        %get3A_63 = arith.constant 0 : index
        %get3A_64 = vector.load %arg20[%get3A_62, %get3A_63] : memref<1x256xf32, #tpu.memory_space<vmem>>, vector<1x256xf32>
        %add3A_65 = arith.addf %get3A_64, %broadcast_in_dim3A : vector<1x256xf32>
        %swap3A_66 = arith.constant 0 : index
        %swap3A_67 = arith.constant 0 : index
        %swap3A_68 = vector.load %arg20[%swap3A_66, %swap3A_67] : memref<1x256xf32, #tpu.memory_space<vmem>>, vector<1x256xf32>
        tpu.vector_store %arg20[%swap3A_66, %swap3A_67], %add3A_65 {strides = array<i32>} : memref<1x256xf32, #tpu.memory_space<vmem>>, vector<1x256xf32>,
        %get3A_69 = arith.constant 0 : index
        %get3A_70 = arith.constant 0 : index
        %get3A_71 = vector.load %arg21[%get3A_69, %get3A_70] : memref<1x256xf32, #tpu.memory_space<vmem>>, vector<1x256xf32>
        %add3A_72 = arith.addf %get3A_71, %broadcast_in_dim3A_52 : vector<1x256xf32>
        %swap3A_73 = arith.constant 0 : index
        %swap3A_74 = arith.constant 0 : index
        %swap3A_75 = vector.load %arg21[%swap3A_73, %swap3A_74] : memref<1x256xf32, #tpu.memory_space<vmem>>, vector<1x256xf32>
        tpu.vector_store %arg21[%swap3A_73, %swap3A_74], %add3A_72 {strides = array<i32>} : memref<1x256xf32, #tpu.memory_space<vmem>>, vector<1x256xf32>,
      } else {
      }
    } else {
    }
    %eq3A_7 = arith.constant 2 : i32
    %eq3A_8 = arith.cmpi eq, %arg0, %eq3A_7 : i32
    %convert_element_type3A_9 = arith.extui %eq3A_8 : i1 to i32
    %cond3A_10 = arith.constant 0 : i32
    %cond3A_11 = arith.cmpi ne, %convert_element_type3A_9, %cond3A_10 : i32
    scf.if %cond3A_11 {
      %eq3A_12 = arith.constant 0 : i32
      %eq3A_13 = arith.cmpi eq, %arg1, %eq3A_12 : i32
      %convert_element_type3A_14 = arith.extui %eq3A_13 : i1 to i32
      %cond3A_15 = arith.constant 0 : i32
      %cond3A_16 = arith.cmpi ne, %convert_element_type3A_14, %cond3A_15 : i32
      scf.if %cond3A_16 {
        %get3A_33 = arith.constant 0 : index
        %get3A_34 = arith.constant 0 : index
        %get3A_35 = vector.load %arg20[%get3A_33, %get3A_34] : memref<1x256xf32, #tpu.memory_space<vmem>>, vector<1x256xf32>
        %div3A = arith.constant 1.000000e+04 : f32
        %div3A_36 = vector.broadcast %div3A : f32 to vector<1x256xf32>
        %div3A_37 = arith.divf %get3A_35, %div3A_36 : vector<1x256xf32>
        %get3A_38 = arith.constant 0 : index
        %get3A_39 = arith.constant 0 : index
        %get3A_40 = vector.load %arg21[%get3A_38, %get3A_39] : memref<1x256xf32, #tpu.memory_space<vmem>>, vector<1x256xf32>
        %div3A_41 = arith.constant 1.000000e+04 : f32
        %div3A_42 = vector.broadcast %div3A_41 : f32 to vector<1x256xf32>
        %div3A_43 = arith.divf %get3A_40, %div3A_42 : vector<1x256xf32>
        %mul3A_44 = arith.mulf %div3A_37, %div3A_37 : vector<1x256xf32>
        %sub3A = arith.subf %div3A_43, %mul3A_44 : vector<1x256xf32>
        %get3A_45 = arith.constant 0 : index
        %get3A_46 = arith.constant 0 : index
        %get3A_47 = vector.load %arg13[%get3A_45, %get3A_46] : memref<1x256xf32, #tpu.memory_space<vmem>>, vector<1x256xf32>
        %add3A_48 = arith.constant 9.99999974E-6 : f32
        %add3A_49 = vector.broadcast %add3A_48 : f32 to vector<1x256xf32>
        %add3A_50 = arith.addf %sub3A, %add3A_49 : vector<1x256xf32>
        %rsqrt3A = math.rsqrt %add3A_50 : vector<1x256xf32>
        %mul3A_51 = arith.mulf %get3A_47, %rsqrt3A : vector<1x256xf32>
        %swap3A_52 = arith.constant 0 : index
        %swap3A_53 = arith.constant 0 : index
        %swap3A_54 = vector.load %arg23[%swap3A_52, %swap3A_53] : memref<2x256xf32, #tpu.memory_space<vmem>>, vector<1x256xf32>
        tpu.vector_store %arg23[%swap3A_52, %swap3A_53], %mul3A_51 {strides = array<i32>} : memref<2x256xf32, #tpu.memory_space<vmem>>, vector<1x256xf32>,
        %get3A_55 = arith.constant 0 : index
        %get3A_56 = arith.constant 0 : index
        %get3A_57 = vector.load %arg14[%get3A_55, %get3A_56] : memref<1x256xf32, #tpu.memory_space<vmem>>, vector<1x256xf32>
        %mul3A_58 = arith.mulf %div3A_37, %mul3A_51 : vector<1x256xf32>
        %sub3A_59 = arith.subf %get3A_57, %mul3A_58 : vector<1x256xf32>
        %swap3A_60 = arith.constant 1 : index
        %swap3A_61 = arith.constant 0 : index
        %swap3A_62 = vector.load %arg23[%swap3A_60, %swap3A_61] : memref<2x256xf32, #tpu.memory_space<vmem>>, vector<1x256xf32>
        tpu.vector_store %arg23[%swap3A_60, %swap3A_61], %sub3A_59 {strides = array<i32>} : memref<2x256xf32, #tpu.memory_space<vmem>>, vector<1x256xf32>,
      } else {
      }
      %mul3A = arith.constant 1000 : i32
      %mul3A_17 = arith.muli %arg1, %mul3A : i32
      %get3A = arith.index_cast %mul3A_17 : i32 to index
      %get3A_18 = arith.constant 0 : index
      %get3A_19 = vector.load %arg17[%get3A, %get3A_18] : memref<10000x256xf32, #tpu.memory_space<vmem>>, vector<1000x256xf32>
      %get3A_20 = arith.constant 0 : index
      %get3A_21 = arith.constant 0 : index
      %get3A_22 = vector.load %arg23[%get3A_20, %get3A_21] : memref<2x256xf32, #tpu.memory_space<vmem>>, vector<1x256xf32>
      %mul3A_23 = vector.broadcast %get3A_22 : vector<1x256xf32> to vector<1000x256xf32>
      %mul3A_24 = arith.mulf %get3A_19, %mul3A_23 : vector<1000x256xf32>
      %get3A_25 = arith.constant 1 : index
      %get3A_26 = arith.constant 0 : index
      %get3A_27 = vector.load %arg23[%get3A_25, %get3A_26] : memref<2x256xf32, #tpu.memory_space<vmem>>, vector<1x256xf32>
      %add3A = vector.broadcast %get3A_27 : vector<1x256xf32> to vector<1000x256xf32>
      %add3A_28 = arith.addf %mul3A_24, %add3A : vector<1000x256xf32>
      %max3A = arith.constant 0.000000e+00 : f32
      %max3A_29 = vector.broadcast %max3A : f32 to vector<1000x256xf32>
      %max3A_30 = arith.maximumf %add3A_28, %max3A_29 : vector<1000x256xf32>
      %swap3A = arith.constant 0 : index
      %swap3A_31 = arith.constant 0 : index
      %swap3A_32 = vector.load %arg15[%swap3A, %swap3A_31] : memref<1000x256xf32, #tpu.memory_space<vmem>>, vector<1000x256xf32>
      tpu.vector_store %arg15[%swap3A, %swap3A_31], %max3A_30 {strides = array<i32>} : memref<1000x256xf32, #tpu.memory_space<vmem>>, vector<1000x256xf32>,
    } else {
    }
    return
  }
  func.func @transform_0(%arg0: i32, %arg1: i32) -> (i32, i32) {
    %c0_i32 = arith.constant 0 : i32
    %c0_i32_0 = arith.constant 0 : i32
    %c0_i32_1 = arith.constant 0 : i32
    return %c0_i32, %c0_i32_0 : i32, i32
  }
  func.func @transform_1(%arg0: i32, %arg1: i32) -> (i32, i32) {
    %lt3A = arith.constant 2 : i32
    %lt3A_0 = arith.cmpi slt, %arg0, %lt3A : i32
    %jit3A = arith.constant 0 : i32
    %select_n3A = arith.select %lt3A_0, %arg1, %jit3A : i32
    %c0_i32 = arith.constant 0 : i32
    %c0_i32_1 = arith.constant 0 : i32
    return %select_n3A, %c0_i32 : i32, i32
  }
  func.func @transform_2(%arg0: i32, %arg1: i32) -> (i32, i32, i32) {
    %eq3A = arith.constant 0 : i32
    %eq3A_0 = arith.cmpi eq, %arg0, %eq3A : i32
    %jit3A = arith.constant 0 : i32
    %select_n3A = arith.select %eq3A_0, %arg1, %jit3A : i32
    %c0_i32 = arith.constant 0 : i32
    %c0_i32_1 = arith.constant 0 : i32
    %c0_i32_2 = arith.constant 0 : i32
    return %c0_i32, %select_n3A, %c0_i32_1 : i32, i32, i32
  }
  func.func @transform_3(%arg0: i32, %arg1: i32) -> (i32, i32, i32) {
    %eq3A = arith.constant 0 : i32
    %eq3A_0 = arith.cmpi eq, %arg0, %eq3A : i32
    %jit3A = arith.constant 0 : i32
    %select_n3A = arith.select %eq3A_0, %arg1, %jit3A : i32
    %c1_i32 = arith.constant 1 : i32
    %c0_i32 = arith.constant 0 : i32
    %c0_i32_1 = arith.constant 0 : i32
    return %c1_i32, %select_n3A, %c0_i32 : i32, i32, i32
  }
  func.func @transform_4(%arg0: i32, %arg1: i32) -> (i32, i32) {
    %c0_i32 = arith.constant 0 : i32
    %c0_i32_0 = arith.constant 0 : i32
    %c0_i32_1 = arith.constant 0 : i32
    return %c0_i32, %c0_i32_0 : i32, i32
  }
  func.func @transform_5(%arg0: i32, %arg1: i32) -> (i32, i32) {
    %c1_i32 = arith.constant 1 : i32
    %c0_i32 = arith.constant 0 : i32
    %c0_i32_0 = arith.constant 0 : i32
    return %c1_i32, %c0_i32 : i32, i32
  }
  func.func @transform_6(%arg0: i32, %arg1: i32) -> (i32, i32) {
    %c0_i32 = arith.constant 0 : i32
    %c0_i32_0 = arith.constant 0 : i32
    %c0_i32_1 = arith.constant 0 : i32
    return %c0_i32, %c0_i32_0 : i32, i32
  }
  func.func @transform_7(%arg0: i32, %arg1: i32) -> (i32, i32) {
    %c0_i32 = arith.constant 0 : i32
    %c0_i32_0 = arith.constant 0 : i32
    %c0_i32_1 = arith.constant 0 : i32
    return %c0_i32, %c0_i32_0 : i32, i32
  }
  func.func @transform_8(%arg0: i32, %arg1: i32) -> (i32, i32) {
    %c0_i32 = arith.constant 0 : i32
    %c0_i32_0 = arith.constant 0 : i32
    %c0_i32_1 = arith.constant 0 : i32
    return %c0_i32, %c0_i32_0 : i32, i32
  }
  func.func @transform_9(%arg0: i32, %arg1: i32) -> (i32, i32) {
    %c0_i32 = arith.constant 0 : i32
    %c0_i32_0 = arith.constant 0 : i32
    %c0_i32_1 = arith.constant 0 : i32
    return %c0_i32, %c0_i32_0 : i32, i32
  }
  func.func @transform_10(%arg0: i32, %arg1: i32) -> (i32, i32) {
    %c0_i32 = arith.constant 0 : i32
    %c0_i32_0 = arith.constant 0 : i32
    %c0_i32_1 = arith.constant 0 : i32
    return %c0_i32, %c0_i32_0 : i32, i32
  }
  func.func @transform_11(%arg0: i32, %arg1: i32) -> (i32, i32) {
    %c0_i32 = arith.constant 0 : i32
    %c0_i32_0 = arith.constant 0 : i32
    %c0_i32_1 = arith.constant 0 : i32
    return %c0_i32, %c0_i32_0 : i32, i32
  }
  func.func @transform_12(%arg0: i32, %arg1: i32) -> (i32, i32) {
    %c0_i32 = arith.constant 0 : i32
    %c0_i32_0 = arith.constant 0 : i32
    %c0_i32_1 = arith.constant 0 : i32
    return %c0_i32, %c0_i32_0 : i32, i32
  }
  func.func @transform_13(%arg0: i32, %arg1: i32) -> (i32, i32) {
    %eq3A = arith.constant 2 : i32
    %eq3A_0 = arith.cmpi eq, %arg0, %eq3A : i32
    %jit3A = arith.constant 0 : i32
    %select_n3A = arith.select %eq3A_0, %arg1, %jit3A : i32
    %c0_i32 = arith.constant 0 : i32
    %c0_i32_1 = arith.constant 0 : i32
    return %select_n3A, %c0_i32 : i32, i32
  }
}

</mosaic_0001>

<sc_bundles>
// kernel: kernel.4.cloned.1.call-start
scs
__scs_entry_jumppad:
0x0: {  	(pc) =	sbr.rel $0x88, $3  }
0x1: {  	(tag) =	ssettag $0x0;
	lr =	simm.s32 $0x1  }
0x2: {  	[smem:$0x3F96] =	sst lr;
	_ =	strace $0xD0000000  }
0x3: {  	_ = 	snop  }
0x4: {  	_ = 	snop  }
0x5: {  	_ = 	snop  }
0x6: {  	_ = 	snop  }
0x7: {  	_ = 	snop  }
__scs_overlays_trampoline_lowered:
0x8: {  	[smem:$0x3FA5] =	sst s0  }
0x9: {  	[smem:$0x3FA6] =	sst s1  }
0xa: {  	[smem:$0x3FA7] =	sst s2  }
0xb: {  	[smem:$0x3FA8] =	sst s3  }
0xc: {  	[smem:$0x3FA9] =	sst s4  }
0xd: {  	[smem:$0x3FAA] =	sst s5  }
0xe: {  	[smem:$0x3FAB] =	sst s6  }
0xf: {  	[smem:$0x3FAC] =	sst s7  }
0x10: {  	[smem:$0x3FAD] =	sst s8  }
0x11: {  	[smem:$0x3FAE] =	sst s9;
	s0 =	simm.s32 @!p0 $0x0  }
0x12: {  	s1 =	sld [smem:$0x3F94];
	s0 =	simm.s32 @p0 $0x1  }
0x13: {  	[smem:$0x3FAF] =	sst s0;
	s0 =	simm.s32 @!p1 $0x0  }
0x14: {  	s2 =	sld [smem:$0x3F93];
	s0 =	simm.s32 @p1 $0x1  }
0x15: {  	[smem:$0x3FB0] =	sst s0;
	s0 =	simm.s32 @!p2 $0x0  }
0x16: {  	s3 =	sld [smem:$0x3FDB];
	s0 =	simm.s32 @p2 $0x1  }
0x17: {  	s4 =	simm.s32 $0x1BF5;
	[smem:$0x3FB2] =	sst s0  }
0x18: {  	s0 =	sld [smem:$0x3F95];
	_ =	swait.ge [sflag:s4], $0x0  }
0x19: {  	s7 =	sld [smem:$0x3F96]  }
0x1a: {  	s8 =	sadd.s32 $0xFFFFE003, lr  }
0x1b: {  	s9 =	sadd.s32 $0xFFFFFEF7, lr;
	s5 =	simm.s32 $0xFFFFFFFF;
	p2 =	slt.u32 s8, $0xFFFFF086  }
0x1c: {  	p1 =	slt.u32 s9, $0xF7A;
	s5 =	simm.s32 @!p2 $0x0  }
0x1d: {  	s5 =	simm.s32 @p1 $0x1;
	p0 =	seq.s32 s7, s2  }
0x1e: {  	s7 =	smul.u32 @!p0 $0xF7A, s2;
	p2 =	seq.s32 @!p0 s5, $0x0  }
0x1f: {  	s9 =	smul.u32 $0xF7A, s1;
	s8 =	simm.s32 @!p0 $0x1BF5;
	p2 =	por !p2, p0  }
0x20: {  	[sflag:s8] =	ssyncset.s32 @!p0 $0xFFFFF086;
	s6 =	sadd.s32 @!p0 s3, s7;
	s7 =	simm.s32 @!p0 $0x108  }
0x21: {  	s3 =	sadd.s32 s3, s9;
	s6 =	sadd.s32 @!p0 $0x88, s6;
	s7 =	simm.s32 @p2 $0x1082  }
0x22: {  	[simem:s7], [sflag:s8] =	dma.local @!p0 [hbm:s6], $0xF7A  }
0x23: {  	s9 =	sor.u32 $0xD0000000, s2;
	s6 =	simm.s32 $0x108;
	_ =	swait.ge @!p0 [sflag:s8], $0x0  }
0x24: {  	s3 =	sadd.s32 $0x88, s3;
	s6 =	simm.s32 @!p1 $0x1082;
	[sflag:s4] =	ssyncset.s32 $0xFFFFF086  }
0x25: {  	[simem:s6], [sflag:s4] =	dma.local [hbm:s3], $0xF7A  }
0x26: {  	[smem:$0x3F96] =	sst s1;
	(tag) =	ssettag s2;
	_ =	strace s9  }
0x27: {  	s1 =	sld [smem:$0x3FA6]  }
0x28: {  	s2 =	sld [smem:$0x3FA7]  }
0x29: {  	s4 =	sld [smem:$0x3FA9]  }
0x2a: {  	p0 =	seq.s32 s5, $0x0;
	s5 =	sld [smem:$0x3FAA]  }
0x2b: {  	s6 =	sld [smem:$0x3FAB]  }
0x2c: {  	s7 =	sld [smem:$0x3FAC]  }
0x2d: {  	s3 =	simm.s32 $0x108;
	s8 =	sld [smem:$0x3FAD]  }
0x2e: {  	s3 =	simm.s32 @!p0 $0x1082;
	s9 =	sld [smem:$0x3FAE]  }
0x2f: {  	lr =	sadd.s32 s0, s3;
	s0 =	sld [smem:$0x3FA5]  }
0x30: {  	s3 =	sld [smem:$0x3FA8]  }
0x31: {  	[smem:$0x3FB1] =	sst s10  }
0x32: {  	s10 =	sld [smem:$0x3FAF];
	_ =	sdelay $0x3  }
0x33: {  	p0 =	seq.s32 s10, $0x1;
	s10 =	sld [smem:$0x3FB1];
	_ =	sdelay $0x3  }
0x34: {  	[smem:$0x3FB1] =	sst s10  }
0x35: {  	s10 =	sld [smem:$0x3FB0];
	_ =	sdelay $0x3  }
0x36: {  	p1 =	seq.s32 s10, $0x1;
	s10 =	sld [smem:$0x3FB1];
	_ =	sdelay $0x3  }
0x37: {  	[smem:$0x3FB1] =	sst s10  }
0x38: {  	s10 =	sld [smem:$0x3FB2]  }
0x39: {  	_ = 	snop;
	(pc) =	sbr.ind lr, $3  }
0x3a: {  	_ = 	snop  }
0x3b: {  	_ = 	snop  }
0x3c: {  	p2 =	seq.s32 s10, $0x1;
	s10 =	sld [smem:$0x3FB1]  }
0x3d: {  	_ =	shalt  }
0x3e: {  	_ =	shalt  }
0x3f: {  	_ =	shalt  }
0x40: {  	_ =	shalt  }
0x41: {  	_ =	shalt  }
0x42: {  	_ =	shalt  }
0x43: {  	_ =	shalt  }
0x44: {  	_ =	shalt  }
0x45: {  	_ =	shalt  }
0x46: {  	_ =	shalt  }
0x47: {  	_ =	shalt  }
0x48: {  	_ =	shalt  }
0x49: {  	_ =	shalt  }
0x4a: {  	_ =	shalt  }
0x4b: {  	_ =	shalt  }
0x4c: {  	_ =	shalt  }
0x4d: {  	_ =	shalt  }
0x4e: {  	_ =	shalt  }
0x4f: {  	_ =	shalt  }
0x50: {  	_ =	shalt  }
0x51: {  	_ =	shalt  }
0x52: {  	_ =	shalt  }
0x53: {  	_ =	shalt  }
0x54: {  	_ =	shalt  }
0x55: {  	_ =	shalt  }
0x56: {  	_ =	shalt  }
0x57: {  	_ =	shalt  }
0x58: {  	_ =	shalt  }
0x59: {  	_ =	shalt  }
0x5a: {  	_ =	shalt  }
0x5b: {  	_ =	shalt  }
0x5c: {  	_ =	shalt  }
0x5d: {  	_ =	shalt  }
0x5e: {  	_ =	shalt  }
0x5f: {  	_ =	shalt  }
0x60: {  	_ =	shalt  }
0x61: {  	_ =	shalt  }
0x62: {  	_ =	shalt  }
0x63: {  	_ =	shalt  }
0x64: {  	_ =	shalt  }
0x65: {  	_ =	shalt  }
0x66: {  	_ =	shalt  }
0x67: {  	_ =	shalt  }
0x68: {  	_ =	shalt  }
0x69: {  	_ =	shalt  }
0x6a: {  	_ =	shalt  }
0x6b: {  	_ =	shalt  }
0x6c: {  	_ =	shalt  }
0x6d: {  	_ =	shalt  }
0x6e: {  	_ =	shalt  }
0x6f: {  	_ =	shalt  }
0x70: {  	_ =	shalt  }
0x71: {  	_ =	shalt  }
0x72: {  	_ =	shalt  }
0x73: {  	_ =	shalt  }
0x74: {  	_ =	shalt  }
0x75: {  	_ =	shalt  }
0x76: {  	_ =	shalt  }
0x77: {  	_ =	shalt  }
0x78: {  	_ =	shalt  }
0x79: {  	_ =	shalt  }
0x7a: {  	_ =	shalt  }
0x7b: {  	_ =	shalt  }
0x7c: {  	_ =	shalt  }
0x7d: {  	_ =	shalt  }
0x7e: {  	_ =	shalt  }
0x7f: {  	_ =	shalt  }
0x80: {  	_ =	shalt  }
0x81: {  	_ =	shalt  }
0x82: {  	_ =	shalt  }
0x83: {  	_ =	shalt  }
0x84: {  	_ =	shalt  }
0x85: {  	_ =	shalt  }
0x86: {  	_ =	shalt  }
0x87: {  	_ =	shalt  }
.Lfunc_end0:
.L_simem_size_0:
called_computation_lowered:
.L_overlay_start_0:
0x88: {  	s2 =	sld [smem:$0x3FD9]  }
0x89: {  	s3 =	sld [smem:$0x3FFE];
	_ =	sdelay $0x1  }
0x8a: {  	s1 =	srdreg.scid  }
0x8b: {  	s0 =	sand.u32 $0x1, s1  }
0x8c: {  	s17 =	sshll.u32 s0, $0xA;
	s2 =	sadd.s32 s3, s2  }
0x8d: {  	s2 =	sadd.s32 s2, s17  }
0x8e: {  	[smem:$0x3FBD] =	sst s2  }
0x8f: {  	_ = 	snop  }
0x90: {  	s2 =	sld [smem:$0x3FD0];
	(tm) =	ssettm $0x1  }
0x91: {  	s18 =	sld [smem:$0x3FFB];
	_ =	sdelay $0x3  }
0x92: {  	_ =	strace s18  }
0x93: {  	s3 =	sld [smem:$0x3FFC];
	_ =	sdelay $0x3  }
0x94: {  	_ =	strace s3  }
0x95: {  	s3 =	sld [smem:$0x3FFD];
	_ =	sdelay $0x3  }
0x96: {  	_ =	strace s3  }
0x97: {  	_ =	strace $0x8FFFFFFF  }
0x98: {  	s19 =	sld [smem:$0x3FDB];
	_ =	sdelay $0x1  }
0x99: {  	s4 =	simm.s32 $_scs_section_size  }
0x9a: {  	s5 =	simm.s32 $_size__tile_overlayer_lowered;
	s6 =	simm.s32 $_tile_overlayer_lowered  }
0x9b: {  	s22 =	simm.s32 $0x1BFF;
	s21 =	sshll.u32 s6, $0x1;
	s3 =	sadd.s32 s4, s19  }
0x9c: {  	s7 =	simm.s32 $0x0;
	s20 =	sshll.u32 s5, $0x1;
	s5 =	sadd.s32 s21, s3  }
0x9d: {  	[timem:s7], [sflag:s22] =	dma.local [hbm:s5], s20  }
0x9e: {  	_ =	swait.ge [sflag:s22], s20  }
0x9f: {  	s4 =	ssub.s32 $0x0, s20;
	[sflag:s22] =	ssyncset.done $0x0  }
0xa0: {  	[sflag:s22] =	ssyncadd.s32 s4;
	_ =	sdelay $0x1  }
0xa1: {  	s23 =	simm.s32 $0x1B8B  }
0xa2: {  	_ =	swait.ge [sflag:s23], $0x1  }
0xa3: {  	[sflag:s23] =	ssyncset.done $0x0  }
0xa4: {  	s25 =	simm.s32 $0x1B8E;
	s24 =	sld [smem:$0x3FFE];
	[sflag:s23] =	ssyncadd.s32 $0xFFFFFFFF  }
0xa5: {  	s26 =	simm.s32 $execute0_lowered;
	[smem:$0x3FD2] =	sst s25  }
0xa6: {  	s5 =	sshll.u32 s26, $0x1;
	_ =	strace $0x80000046;
	[dreg:$0x1] =	wrdreg $0xFFFFFFFF  }
0xa7: {  	s28 =	simm.s32 $_size_execute0_lowered;
	s3 =	sadd.s32 s3, s5;
	[dreg:$0x0] =	wrdreg $0x0  }
0xa8: {  	s5 =	sshll.u32 s28, $0x1;
	[dreg:$0x2] =	wrdreg s3  }
0xa9: {  	[dreg:$0x3] =	wrdreg s5  }
0xaa: {  	[dreg:$0x4] =	wrdreg $0xC0  }
0xab: {  	_ =	task [dreg:s7], $0x5FFFF  }
0xac: {  	[dreg:$0x1] =	wrdreg $0xFFFFFFFF  }
0xad: {  	[dreg:$0x0] =	wrdreg $0x60  }
0xae: {  	[dreg:$0x2] =	wrdreg s2  }
0xaf: {  	[dreg:$0x3] =	wrdreg s24  }
0xb0: {  	[dreg:$0x4] =	wrdreg $0x129800  }
0xb1: {  	[dreg:$0x5] =	wrdreg $0x9  }
0xb2: {  	_ =	task.clear_ibuf [dreg:s7], $0x6FFFF;
	_ =	strace $0x90000046  }
0xb3: {  	s29 =	simm.s32 $0x9;
	_ =	strace $0x80000048  }
0xb4: {  	_ =	swait.ge [sflag:s29], $0x1  }
0xb5: {  	[sflag:s29] =	ssyncadd.s32 $0xFFFFFFFF  }
0xb6: {  	_ =	strace $0x90000048  }
0xb7: {  	_ =	sfence  }
0xb8: {  	s30 =	sld [smem:$0x0];
	_ =	sdelay $0x2  }
0xb9: {  	s31 =	sshll.u32 s1, $0xD;
	s1 =	sshrl.u32 s1, $0x2  }
0xba: {  	s3 =	sand.u32 $0x4000, s31;
	s1 =	sadd.s32 s1, s30  }
0xbb: {  	s0 =	sor.u32 s3, s0;
	s1 =	sshll.u32 s1, $0x11  }
0xbc: {  	s0 =	sor.u32 s1, s0  }
0xbd: {  	s0 =	sadd.s32 $0x8F2B, s0  }
0xbe: {  	[sflag:s0] =	ssyncadd.remote.s32 $0x1  }
0xbf: {  	_ =	sfence.sel $0xFFFF  }
0xc0: {  	[dreg:$0x0] =	wrdreg $0xFFFFFFFF;
	(pc) =	sbr.abs _section_cstart, $3  }
0xc1: {  	[dreg:$0x1] =	wrdreg $0xFFFFFFFF  }
0xc2: {  	_ =	task.clear_ibuf [dreg:s7], $0x2FFFF;
	_ =	strace $0x9FFFFFFF  }
0xc3: {  	(tm) =	ssettm $0x7FFFFFFF  }
tec
execute0_lowered:
.L_overlay_start_1:
0x0: {  	(tag) =	ssettag $0x1  }
0x1: {  	s1 =	rddreg [dreg:$0x0]  }
0x2: {  	s0 =	rddreg [dreg:$0x1]  }
0x3: {  	s3 =	rddreg [dreg:$0x2];
	s4 =	simm.s32 $0x0  }
0x4: {  	s2 =	stileid.u32;
	s6 =	srdreg.scid;
	s19 =	simm.s32 $0x1  }
0x5: {  	s20 =	simm.s32 $0xE;
	s21 =	simm.s32 $0x2780;
	s23 =	simm.s32 $0x2980  }
0x6: {  	s24 =	simm.s32 $0x0;
	[smem:$0x7FF] =	sst s4;
	s5 =	sshll.u32 s2, $0x4  }
0x7: {  	s7 =	sand.u32 $0x1, s6;
	s9 =	smul.u32 $0x27000, s2;
	p0 =	slt.u32 s2, $0x2  }
0x8: {  	s10 =	smul.u32 $0x138, s2;
	s31 =	sadd.s32 $0x9C000, s3;
	_ =	strace $0x80000047  }
0x9: {  	s18 =	sadd.s32 s5, s0;
	s5 =	sadd.s32 $0xBA00, s0;
	s22 =	smul.u32 $0x1388, s7  }
0xa: {  	s6 =	ssub.s32 $0x2, s7;
	s0 =	sadd.s32 $0xCE00, s0;
	s11 =	smul.u32 $0x9C400, s7  }
0xb: {  	[dreg:$0x5] =	wrdreg s31;
	s8 =	sshrl.u32 s6, $0x1;
	s29 =	sshrl.u32 s9, $0x2  }
0xc: {  	s9 =	sadd.s32 $0x1A00, s18;
	s17 =	sadd.s32 $0x6A00, s18;
	s18 =	sadd.s32 $0x1C00, s18  }
0xd: {  	s16 =	ssub.s32 s6, s8;
	s6 =	simm.s32 $0x4F;
	s30 =	sadd.s32 s29, s3  }
0xe: {  	s12 =	sadd.s32 s10, s22;
	s11 =	sshrl.u32 s11, $0x3;
	v0 =	vmov s22;
	s22 =	simm.s32 $0x80  }
0xf: {  	s6 =	simm.s32 @!p0 $0x4E;
	[dreg:$0x4] =	wrdreg s30;
	s12 =	sshll.u32 s12, $0x4  }
0x10: {  	s15 =	sadd.s32 s0, s11;
	s16 =	smax.u32 s16, $0x1;
	p0 =	sne.s32 s2, $0xF  }
0x11: {  	s10 =	sadd.s32 $0x2, s6;
	s11 =	sadd.s32 s0, s12;
	s12 =	sadd.s32 $0x13800, s15  }
0x12: {  	s13 =	sshll.u32 s6, $0x3;
	s15 =	sadd.s32 $0x3A900, s15;
	s14 =	sadd.s32 $0x27100, s11  }
.LBB2_1:
0x13: {  	p1 =	sne.s32 s6, $0x1  }
.Ltmp0:
0x14: {  	_ = 	snop;
	(pc) =	sbr.rel @!p1 .LBB2_3-.Ltmp0, $3  }
0x15: {  	_ =	sdelay $0x1  }
0x16: {  	[tilespmem:s4], [sflag:$0x1] =	stream.linear.gather [hbm4b:s17+s4], $0x80, $0x38;
	[tilespmem:$0x1C600] =	vst v63  }
0x17: {  	s0 =	sadd.s32 $0xFFFFFFFF, s6;
	s25 =	smov.u32 s17;
	s26 =	simm.s32 $0x0  }
.LBB2_2:
0x18: {  	p2 =	sne.s32 s0, $0x1  }
.Ltmp1:
0x19: {  	_ = 	snop;
	(pc) =	sbr.rel @p2 .LBB2_2-.Ltmp1, $4  }
0x1a: {  	_ = 	snop  }
0x1b: {  	s25 =	sadd.s32 $0x100, s25;
	s26 =	sadd.s32 $0x80, s26  }
0x1c: {  	s0 =	sadd.s32 $0xFFFFFFFF, s0  }
0x1d: {  	[tilespmem:s26], [sflag:$0x1] =	stream.linear.gather [hbm4b:s25+s4], $0x80, $0x38;
	[tilespmem:$0x1C600] =	vst v63  }
.LBB2_3:
.Ltmp2:
0x1e: {  	(pc) =	sbr.rel @!p1 .LBB2_5-.Ltmp2, $3  }
0x1f: {  	_ =	sdelay $0x1  }
0x20: {  	_ =	swait.ge [sflag:s19], $0x80  }
0x21: {  	s0 =	sadd.s32 $0xFFFFFFFF, s6;
	[sflag:s19] =	ssyncset.done $0x0  }
.LBB2_4:
0x22: {  	p1 =	sne.s32 s0, $0x1;
	s0 =	sadd.s32 $0xFFFFFFFF, s0;
	[sflag:s19] =	ssyncadd.s32 $0xFFFFFF80  }
.Ltmp3:
0x23: {  	(pc) =	sbr.rel @p1 .LBB2_4-.Ltmp3, $3  }
0x24: {  	_ =	sdelay $0x1  }
0x25: {  	_ =	swait.ge [sflag:s19], $0x80  }
0x26: {  	[sflag:s19] =	ssyncset.done $0x0  }
.LBB2_5:
0x27: {  	s0 =	stileid.u32  }
0x28: {  	s26 =	rddreg [dreg:$0x4];
	s0 =	sshll.u32 s0, $0x6  }
0x29: {  	[sflag:s19] =	ssyncadd.s32 $0xFFFFFF80;
	s26 =	sshrl.u32 s26, $0x3;
	s25 =	sor.u32 $0x1C0E, s0  }
0x2a: {  	[spmem:s26], [sflag:s25] =	dma.local [hbm:s5], $0x1380  }
0x2b: {  	_ =	swait.ge [sflag:s20], $0x1380  }
0x2c: {  	[sflag:s20] =	ssyncset.done $0x0;
	s0 =	rddreg [dreg:$0x5]  }
0x2d: {  	[sflag:s20] =	ssyncadd.s32 $0xFFFFEC80;
	s28 =	sshrl.u32 @!p0 s0, $0x3;
	s0 =	simm.s32 @!p0 $0xE  }
0x2e: {  	[spmem:s28], [sflag:s25] =	dma.local @!p0 [hbm:s5], $0x100  }
0x2f: {  	_ =	swait.ge @!p0 [sflag:s0], $0x100  }
0x30: {  	[sflag:s0] =	ssyncset.done @!p0 $0x0  }
0x31: {  	[sflag:s0] =	ssyncadd.s32 @!p0 $0xFFFFFF00  }
0x32: {  	s29 =	simm.s32 $0x0;
	[bflag:$0x0] =	sbarrier.arrive $0xFFFF  }
0x33: {  	[tilespmem:s21], [sflag:$0xA] =	stream.linear.gather [hbm4b:s9+s29], $0x80, $0x38;
	[tilespmem:$0x1C600] =	vst v63  }
0x34: {  	s30 =	simm.s32 $0x200;
	s31 =	smov.u32 s18  }
0x35: {  	[tilespmem:s23], [sflag:$0x2] =	stream.indirect.gather [hbm4b:s1+s22], $0x80, s29, s22, $0xb8;
	[tilespmem:$0x1C600] =	vst v63  }
.LBB2_6:
0x36: {  	p1 =	sge.u32 s29, s6  }
0x37: {  	s0 =	simm.s32 @!p1 $0x2  }
0x38: {  	_ =	swait.ge @!p1 [sflag:s0], $0x4000  }
0x39: {  	[sflag:s0] =	ssyncset.done @!p1 $0x0  }
0x3a: {  	[sflag:s0] =	ssyncadd.s32 @!p1 $0xFFFFC000;
	s0 =	simm.s32 @!p1 $0xA  }
0x3b: {  	_ =	swait.ge @!p1 [sflag:s0], $0x80  }
0x3c: {  	[sflag:s0] =	ssyncset.done @!p1 $0x0  }
0x3d: {  	[sflag:s0] =	ssyncadd.s32 @!p1 $0xFFFFFF80  }
0x3e: {  	v1 =	vld @!p1 [tilespmem:$0x2780]  }
0x3f: {  	v2 =	vld @!p1 [tilespmem:$0x2790]  }
0x40: {  	v3 =	vld @!p1 [tilespmem:$0x27A0]  }
0x41: {  	v4 =	vld @!p1 [tilespmem:$0x27B0]  }
0x42: {  	v5 =	vld @!p1 [tilespmem:$0x27C0]  }
0x43: {  	v6 =	vld @!p1 [tilespmem:$0x27D0];
	v1 =	vsub.s32 @!p1 v1, v0  }
0x44: {  	v7 =	vld @!p1 [tilespmem:$0x27E0];
	v2 =	vsub.s32 @!p1 v2, v0;
	v1 =	vmin.u32 @!p1 v1, $0x1388  }
0x45: {  	[tilespmem:$0x2780] =	vst @!p1 v1;
	v1 =	vmin.u32 @!p1 v2, $0x1388;
	v2 =	vsub.s32 @!p1 v3, v0;
	v3 =	vld @!p1 [tilespmem:$0x27F0]  }
0x46: {  	[tilespmem:$0x2790] =	vst @!p1 v1;
	v1 =	vmin.u32 @!p1 v2, $0x1388;
	v2 =	vsub.s32 @!p1 v4, v0  }
0x47: {  	[tilespmem:$0x27A0] =	vst @!p1 v1;
	v1 =	vmin.u32 @!p1 v2, $0x1388;
	v2 =	vsub.s32 @!p1 v5, v0  }
0x48: {  	[tilespmem:$0x27B0] =	vst @!p1 v1;
	v1 =	vmin.u32 @!p1 v2, $0x1388;
	v2 =	vsub.s32 @!p1 v6, v0  }
0x49: {  	[tilespmem:$0x27C0] =	vst @!p1 v1;
	v1 =	vmin.u32 @!p1 v2, $0x1388;
	v2 =	vsub.s32 @!p1 v7, v0  }
0x4a: {  	[tilespmem:$0x27D0] =	vst @!p1 v1;
	v1 =	vmin.u32 @!p1 v2, $0x1388;
	v2 =	vsub.s32 @!p1 v3, v0  }
0x4b: {  	p2 =	seq.s32 s29, $0x0;
	[tilespmem:$0x27E0] =	vst @!p1 v1;
	v1 =	vmin.u32 @!p1 v2, $0x1388  }
0x4c: {  	s2 =	simm.s32 @!p1 $0x2780;
	s7 =	simm.s32 @!p1 $0x2980;
	s0 =	simm.s32 @!p1 $0x80;
	[tilespmem:$0x27F0] =	vst @!p1 v1  }
0x4d: {  	[spmem:s3] =	stream.indirect.scatter.add.f32 @!p1 [tilespmem:s7], [sflag:$0x6], $0x80, s2, s0, $0xb8;
	[tilespmem:$0x1C600] =	vst v63  }
0x4e: {  	s8 =	sadd.s32 $0x1, s29;
	s0 =	simm.s32 @!p2 $0x7  }
0x4f: {  	p3 =	sge.u32 s8, s6;
	_ =	swait.ge @!p2 [sflag:s0], $0x4000  }
0x50: {  	s2 =	simm.s32 @!p3 $0x0;
	[sflag:s0] =	ssyncset.done @!p2 $0x0  }
0x51: {  	s7 =	simm.s32 @!p3 $0x2800;
	[sflag:s0] =	ssyncadd.s32 @!p2 $0xFFFFC000;
	s0 =	sadd.s32 @!p3 $0xFFFFFF00, s31  }
0x52: {  	[tilespmem:s7], [sflag:$0xB] =	stream.linear.gather @!p3 [hbm4b:s0+s2], $0x80, $0x38;
	[tilespmem:$0x1C600] =	vst v63  }
0x53: {  	s8 =	simm.s32 @!p3 $0x6980;
	s0 =	sadd.s32 @!p3 $0xFFFFFE80, s30;
	s2 =	simm.s32 @!p3 $0x80  }
0x54: {  	[tilespmem:s8], [sflag:$0x3] =	stream.indirect.gather @!p3 [hbm4b:s1+s2], $0x80, s0, s2, $0xb8;
	[tilespmem:$0x1C600] =	vst v63  }
0x55: {  	s0 =	simm.s32 @!p3 $0x3  }
0x56: {  	_ =	swait.ge @!p3 [sflag:s0], $0x4000  }
0x57: {  	[sflag:s0] =	ssyncset.done @!p3 $0x0  }
0x58: {  	[sflag:s0] =	ssyncadd.s32 @!p3 $0xFFFFC000;
	s0 =	simm.s32 @!p3 $0xB  }
0x59: {  	_ =	swait.ge @!p3 [sflag:s0], $0x80  }
0x5a: {  	[sflag:s0] =	ssyncset.done @!p3 $0x0  }
0x5b: {  	[sflag:s0] =	ssyncadd.s32 @!p3 $0xFFFFFF80  }
0x5c: {  	v1 =	vld @!p3 [tilespmem:$0x2800]  }
0x5d: {  	v2 =	vld @!p3 [tilespmem:$0x2810]  }
0x5e: {  	v3 =	vld @!p3 [tilespmem:$0x2820]  }
0x5f: {  	v4 =	vld @!p3 [tilespmem:$0x2830]  }
0x60: {  	v5 =	vld @!p3 [tilespmem:$0x2840]  }
0x61: {  	v6 =	vld @!p3 [tilespmem:$0x2850];
	v1 =	vsub.s32 @!p3 v1, v0  }
0x62: {  	v7 =	vld @!p3 [tilespmem:$0x2860];
	v2 =	vsub.s32 @!p3 v2, v0;
	v1 =	vmin.u32 @!p3 v1, $0x1388  }
0x63: {  	[tilespmem:$0x2800] =	vst @!p3 v1;
	v1 =	vmin.u32 @!p3 v2, $0x1388;
	v2 =	vsub.s32 @!p3 v3, v0;
	v3 =	vld @!p3 [tilespmem:$0x2870]  }
0x64: {  	[tilespmem:$0x2810] =	vst @!p3 v1;
	v1 =	vmin.u32 @!p3 v2, $0x1388;
	v2 =	vsub.s32 @!p3 v4, v0  }
0x65: {  	[tilespmem:$0x2820] =	vst @!p3 v1;
	v1 =	vmin.u32 @!p3 v2, $0x1388;
	v2 =	vsub.s32 @!p3 v5, v0  }
0x66: {  	[tilespmem:$0x2830] =	vst @!p3 v1;
	v1 =	vmin.u32 @!p3 v2, $0x1388;
	v2 =	vsub.s32 @!p3 v6, v0  }
0x67: {  	[tilespmem:$0x2840] =	vst @!p3 v1;
	v1 =	vmin.u32 @!p3 v2, $0x1388;
	v2 =	vsub.s32 @!p3 v7, v0  }
0x68: {  	[tilespmem:$0x2850] =	vst @!p3 v1;
	v1 =	vmin.u32 @!p3 v2, $0x1388;
	v2 =	vsub.s32 @!p3 v3, v0  }
0x69: {  	[tilespmem:$0x2860] =	vst @!p3 v1;
	v1 =	vmin.u32 @!p3 v2, $0x1388  }
0x6a: {  	[tilespmem:$0x2870] =	vst @!p3 v1  }
0x6b: {  	[spmem:s3] =	stream.indirect.scatter.add.f32 @!p3 [tilespmem:s8], [sflag:$0x7], $0x80, s7, s2, $0xb8;
	[tilespmem:$0x1C600] =	vst v63  }
0x6c: {  	p3 =	sge.u32 @!p2 s29, s10  }
0x6d: {  	p4 =	por p3, p2  }
0x6e: {  	s0 =	simm.s32 @!p4 $0x8  }
0x6f: {  	s7 =	sadd.s32 $0x2, s29;
	_ =	swait.ge @!p4 [sflag:s0], $0x4000  }
0x70: {  	p3 =	sge.u32 s7, s6;
	[sflag:s0] =	ssyncset.done @!p4 $0x0  }
0x71: {  	s2 =	simm.s32 @!p3 $0x2880;
	[sflag:s0] =	ssyncadd.s32 @!p4 $0xFFFFC000;
	s0 =	simm.s32 @!p3 $0x0  }
0x72: {  	[tilespmem:s2], [sflag:$0xC] =	stream.linear.gather @!p3 [hbm4b:s31+s0], $0x80, $0x38;
	[tilespmem:$0x1C600] =	vst v63  }
0x73: {  	s7 =	simm.s32 @!p3 $0x80;
	s8 =	simm.s32 @!p3 $0xA980;
	s0 =	sadd.s32 @!p3 $0xFFFFFF00, s30  }
0x74: {  	[tilespmem:s8], [sflag:$0x4] =	stream.indirect.gather @!p3 [hbm4b:s1+s7], $0x80, s0, s7, $0xb8;
	[tilespmem:$0x1C600] =	vst v63  }
0x75: {  	s0 =	simm.s32 @!p3 $0x4  }
0x76: {  	_ =	swait.ge @!p3 [sflag:s0], $0x4000  }
0x77: {  	[sflag:s0] =	ssyncset.done @!p3 $0x0  }
0x78: {  	[sflag:s0] =	ssyncadd.s32 @!p3 $0xFFFFC000;
	s0 =	simm.s32 @!p3 $0xC  }
0x79: {  	_ =	swait.ge @!p3 [sflag:s0], $0x80  }
0x7a: {  	[sflag:s0] =	ssyncset.done @!p3 $0x0  }
0x7b: {  	[sflag:s0] =	ssyncadd.s32 @!p3 $0xFFFFFF80  }
0x7c: {  	v1 =	vld @!p3 [tilespmem:$0x2880]  }
0x7d: {  	v2 =	vld @!p3 [tilespmem:$0x2890]  }
0x7e: {  	v3 =	vld @!p3 [tilespmem:$0x28A0]  }
0x7f: {  	v4 =	vld @!p3 [tilespmem:$0x28B0]  }
0x80: {  	v5 =	vld @!p3 [tilespmem:$0x28C0]  }
0x81: {  	v6 =	vld @!p3 [tilespmem:$0x28D0];
	v1 =	vsub.s32 @!p3 v1, v0  }
0x82: {  	v7 =	vld @!p3 [tilespmem:$0x28E0];
	v2 =	vsub.s32 @!p3 v2, v0;
	v1 =	vmin.u32 @!p3 v1, $0x1388  }
0x83: {  	[tilespmem:$0x2880] =	vst @!p3 v1;
	v1 =	vmin.u32 @!p3 v2, $0x1388;
	v2 =	vsub.s32 @!p3 v3, v0;
	v3 =	vld @!p3 [tilespmem:$0x28F0]  }
0x84: {  	[tilespmem:$0x2890] =	vst @!p3 v1;
	v1 =	vmin.u32 @!p3 v2, $0x1388;
	v2 =	vsub.s32 @!p3 v4, v0  }
0x85: {  	[tilespmem:$0x28A0] =	vst @!p3 v1;
	v1 =	vmin.u32 @!p3 v2, $0x1388;
	v2 =	vsub.s32 @!p3 v5, v0  }
0x86: {  	[tilespmem:$0x28B0] =	vst @!p3 v1;
	v1 =	vmin.u32 @!p3 v2, $0x1388;
	v2 =	vsub.s32 @!p3 v6, v0  }
0x87: {  	[tilespmem:$0x28C0] =	vst @!p3 v1;
	v1 =	vmin.u32 @!p3 v2, $0x1388;
	v2 =	vsub.s32 @!p3 v7, v0  }
0x88: {  	[tilespmem:$0x28D0] =	vst @!p3 v1;
	v1 =	vmin.u32 @!p3 v2, $0x1388;
	v2 =	vsub.s32 @!p3 v3, v0  }
0x89: {  	[tilespmem:$0x28E0] =	vst @!p3 v1;
	v1 =	vmin.u32 @!p3 v2, $0x1388  }
0x8a: {  	[tilespmem:$0x28F0] =	vst @!p3 v1  }
0x8b: {  	[spmem:s3] =	stream.indirect.scatter.add.f32 @!p3 [tilespmem:s8], [sflag:$0x8], $0x80, s2, s7, $0xb8;
	[tilespmem:$0x1C600] =	vst v63  }
0x8c: {  	p3 =	sgt.u32 @!p2 s29, s6  }
0x8d: {  	p2 =	por p3, p2  }
0x8e: {  	s0 =	simm.s32 @!p2 $0x9  }
0x8f: {  	_ =	swait.ge @!p2 [sflag:s0], $0x4000  }
0x90: {  	s8 =	sadd.s32 $0x3, s29;
	[sflag:s0] =	ssyncset.done @!p2 $0x0  }
0x91: {  	[sflag:s0] =	ssyncadd.s32 @!p2 $0xFFFFC000;
	p2 =	sge.u32 s8, s6  }
0x92: {  	s0 =	sadd.s32 @!p2 $0x100, s31;
	s2 =	simm.s32 @!p2 $0x0;
	s7 =	simm.s32 @!p2 $0x2900  }
0x93: {  	[tilespmem:s7], [sflag:$0xD] =	stream.linear.gather @!p2 [hbm4b:s0+s2], $0x80, $0x38;
	[tilespmem:$0x1C600] =	vst v63  }
0x94: {  	s8 =	simm.s32 @!p2 $0xE980;
	s0 =	sadd.s32 @!p2 $0xFFFFFF80, s30;
	s2 =	simm.s32 @!p2 $0x80  }
0x95: {  	[tilespmem:s8], [sflag:$0x5] =	stream.indirect.gather @!p2 [hbm4b:s1+s2], $0x80, s0, s2, $0xb8;
	[tilespmem:$0x1C600] =	vst v63  }
0x96: {  	s0 =	simm.s32 @!p2 $0x5  }
0x97: {  	_ =	swait.ge @!p2 [sflag:s0], $0x4000  }
0x98: {  	[sflag:s0] =	ssyncset.done @!p2 $0x0  }
0x99: {  	[sflag:s0] =	ssyncadd.s32 @!p2 $0xFFFFC000;
	s0 =	simm.s32 @!p2 $0xD  }
0x9a: {  	_ =	swait.ge @!p2 [sflag:s0], $0x80  }
0x9b: {  	[sflag:s0] =	ssyncset.done @!p2 $0x0  }
0x9c: {  	[sflag:s0] =	ssyncadd.s32 @!p2 $0xFFFFFF80  }
0x9d: {  	v1 =	vld @!p2 [tilespmem:$0x2900]  }
0x9e: {  	v2 =	vld @!p2 [tilespmem:$0x2910]  }
0x9f: {  	v3 =	vld @!p2 [tilespmem:$0x2920]  }
0xa0: {  	v4 =	vld @!p2 [tilespmem:$0x2930]  }
0xa1: {  	v5 =	vld @!p2 [tilespmem:$0x2940]  }
0xa2: {  	v6 =	vld @!p2 [tilespmem:$0x2950];
	v1 =	vsub.s32 @!p2 v1, v0  }
0xa3: {  	v7 =	vld @!p2 [tilespmem:$0x2960];
	v2 =	vsub.s32 @!p2 v2, v0;
	v1 =	vmin.u32 @!p2 v1, $0x1388  }
0xa4: {  	[tilespmem:$0x2900] =	vst @!p2 v1;
	v1 =	vmin.u32 @!p2 v2, $0x1388;
	v2 =	vsub.s32 @!p2 v3, v0;
	v3 =	vld @!p2 [tilespmem:$0x2970]  }
0xa5: {  	[tilespmem:$0x2910] =	vst @!p2 v1;
	v1 =	vmin.u32 @!p2 v2, $0x1388;
	v2 =	vsub.s32 @!p2 v4, v0  }
0xa6: {  	[tilespmem:$0x2920] =	vst @!p2 v1;
	v1 =	vmin.u32 @!p2 v2, $0x1388;
	v2 =	vsub.s32 @!p2 v5, v0  }
0xa7: {  	[tilespmem:$0x2930] =	vst @!p2 v1;
	v1 =	vmin.u32 @!p2 v2, $0x1388;
	v2 =	vsub.s32 @!p2 v6, v0  }
0xa8: {  	[tilespmem:$0x2940] =	vst @!p2 v1;
	v1 =	vmin.u32 @!p2 v2, $0x1388;
	v2 =	vsub.s32 @!p2 v7, v0  }
0xa9: {  	[tilespmem:$0x2950] =	vst @!p2 v1;
	v1 =	vmin.u32 @!p2 v2, $0x1388;
	v2 =	vsub.s32 @!p2 v3, v0  }
0xaa: {  	[tilespmem:$0x2960] =	vst @!p2 v1;
	v1 =	vmin.u32 @!p2 v2, $0x1388  }
0xab: {  	s0 =	simm.s32 @!p1 $0x6;
	[tilespmem:$0x2970] =	vst @!p2 v1  }
0xac: {  	[spmem:s3] =	stream.indirect.scatter.add.f32 @!p2 [tilespmem:s8], [sflag:$0x9], $0x80, s7, s2, $0xb8;
	[tilespmem:$0x1C600] =	vst v63  }
0xad: {  	_ =	swait.ge @!p1 [sflag:s0], $0x4000  }
0xae: {  	s29 =	sadd.s32 $0x4, s29;
	[sflag:s0] =	ssyncset.done @!p1 $0x0  }
0xaf: {  	[sflag:s0] =	ssyncadd.s32 @!p1 $0xFFFFC000;
	p1 =	sge.u32 s29, s6  }
0xb0: {  	s0 =	sadd.s32 @!p1 $0x200, s31;
	s2 =	simm.s32 @!p1 $0x0;
	s7 =	simm.s32 @!p1 $0x2780  }
0xb1: {  	[tilespmem:s7], [sflag:$0xA] =	stream.linear.gather @!p1 [hbm4b:s0+s2], $0x80, $0x38;
	[tilespmem:$0x1C600] =	vst v63  }
0xb2: {  	s0 =	simm.s32 @!p1 $0x80;
	s2 =	simm.s32 @!p1 $0x2980  }
0xb3: {  	[tilespmem:s2], [sflag:$0x2] =	stream.indirect.gather @!p1 [hbm4b:s1+s0], $0x80, s30, s0, $0xb8;
	[tilespmem:$0x1C600] =	vst v63  }
0xb4: {  	p1 =	sne.s32 s29, $0x54  }
.Ltmp4:
0xb5: {  	_ = 	snop;
	(pc) =	sbr.rel @p1 .LBB2_6-.Ltmp4, $2  }
0xb6: {  	_ =	sdelay $0x2  }
0xb7: {  	s31 =	sadd.s32 $0x400, s31;
	s30 =	sadd.s32 $0x200, s30  }
0xb8: {  	[bflag:$0x0] =	sbarrier.arrive $0xFFFF  }
0xb9: {  	[hbm:s11], [sflag:s25] =	dma.local [spmem:s26], $0x1380  }
0xba: {  	_ =	swait.ge [sflag:s20], $0x1380  }
0xbb: {  	[sflag:s20] =	ssyncset.done $0x0  }
0xbc: {  	s30 =	simm.s32 @!p0 $0xE;
	p1 =	sne.s32 s13, $0x1;
	[sflag:s20] =	ssyncadd.s32 $0xFFFFEC80  }
0xbd: {  	[hbm:s12], [sflag:s25] =	dma.local @!p0 [spmem:s28], $0x80  }
.Ltmp5:
0xbe: {  	_ =	swait.ge @!p0 [sflag:s30], $0x80;
	(pc) =	sbr.rel @!p1 .LBB2_9-.Ltmp5, $4  }
0xbf: {  	[sflag:s30] =	ssyncset.done @!p0 $0x0  }
0xc0: {  	[sflag:s30] =	ssyncadd.s32 @!p0 $0xFFFFFF80  }
0xc1: {  	s29 =	simm.s32 $0x0;
	[bflag:$0x0] =	sbarrier.arrive $0xFFFF  }
0xc2: {  	s0 =	sadd.s32 $0xFFFFFFFF, s13;
	s31 =	simm.s32 $0x0;
	v1 =	vld [tilespmem:s29+$0x0]  }
.LBB2_8:
0xc3: {  	p1 =	sne.s32 s0, $0x1;
	_ =	sdelay $0x1  }
.Ltmp6:
0xc4: {  	(pc) =	sbr.rel @p1 .LBB2_8-.Ltmp6, $4  }
0xc5: {  	_ = 	snop  }
0xc6: {  	v1 =	vadd.s32 $0x1, v1  }
0xc7: {  	[tilespmem:s31+$0x0] =	vst v1;
	s31 =	sadd.s32 $0x10, s31  }
0xc8: {  	s0 =	sadd.s32 $0xFFFFFFFF, s0;
	v1 =	vld [tilespmem:s31+$0x0]  }
.LBB2_9:
0xc9: {  	_ =	sdelay $0x3  }
0xca: {  	v1 =	vadd.s32 $0x1, v1  }
0xcb: {  	[tilespmem:s31+$0x0] =	vst v1  }
0xcc: {  	[spmem:s26], [sflag:s25] =	dma.local [hbm:s5], $0x1380  }
0xcd: {  	_ =	swait.ge [sflag:s20], $0x1380  }
0xce: {  	[sflag:s20] =	ssyncset.done $0x0  }
0xcf: {  	[sflag:s20] =	ssyncadd.s32 $0xFFFFEC80  }
0xd0: {  	[spmem:s28], [sflag:s25] =	dma.local @!p0 [hbm:s5], $0x100  }
0xd1: {  	_ =	swait.ge @!p0 [sflag:s30], $0x100  }
0xd2: {  	[sflag:s30] =	ssyncset.done @!p0 $0x0  }
0xd3: {  	[sflag:s30] =	ssyncadd.s32 @!p0 $0xFFFFFF00  }
0xd4: {  	[bflag:$0x0] =	sbarrier.arrive $0xFFFF  }
0xd5: {  	[tilespmem:s21], [sflag:$0xA] =	stream.linear.gather [hbm4b:s9+s29], $0x80, $0x38;
	[tilespmem:$0x1C600] =	vst v63  }
0xd6: {  	s31 =	smov.u32 s18;
	s30 =	simm.s32 $0x200  }
0xd7: {  	[tilespmem:s23], [sflag:$0x2] =	stream.indirect.gather [hbm4b:s1+s22], $0x80, s29, s22, $0xb8;
	[tilespmem:$0x1C600] =	vst v63  }
.LBB2_10:
0xd8: {  	p1 =	sge.u32 s29, s6  }
0xd9: {  	s0 =	simm.s32 @!p1 $0x2  }
0xda: {  	_ =	swait.ge @!p1 [sflag:s0], $0x4000  }
0xdb: {  	[sflag:s0] =	ssyncset.done @!p1 $0x0  }
0xdc: {  	[sflag:s0] =	ssyncadd.s32 @!p1 $0xFFFFC000;
	s0 =	simm.s32 @!p1 $0xA  }
0xdd: {  	_ =	swait.ge @!p1 [sflag:s0], $0x80  }
0xde: {  	[sflag:s0] =	ssyncset.done @!p1 $0x0  }
0xdf: {  	[sflag:s0] =	ssyncadd.s32 @!p1 $0xFFFFFF80  }
0xe0: {  	v1 =	vld @!p1 [tilespmem:$0x2780]  }
0xe1: {  	v2 =	vld @!p1 [tilespmem:$0x2790]  }
0xe2: {  	v3 =	vld @!p1 [tilespmem:$0x27A0]  }
0xe3: {  	v4 =	vld @!p1 [tilespmem:$0x27B0]  }
0xe4: {  	v5 =	vld @!p1 [tilespmem:$0x27C0]  }
0xe5: {  	v6 =	vld @!p1 [tilespmem:$0x27D0];
	v1 =	vsub.s32 @!p1 v1, v0  }
0xe6: {  	v7 =	vld @!p1 [tilespmem:$0x27E0];
	v2 =	vsub.s32 @!p1 v2, v0;
	v1 =	vmin.u32 @!p1 v1, $0x1388  }
0xe7: {  	[tilespmem:$0x2780] =	vst @!p1 v1;
	v1 =	vmin.u32 @!p1 v2, $0x1388;
	v2 =	vsub.s32 @!p1 v3, v0;
	v3 =	vld @!p1 [tilespmem:$0x27F0]  }
0xe8: {  	[tilespmem:$0x2790] =	vst @!p1 v1;
	v1 =	vmin.u32 @!p1 v2, $0x1388;
	v2 =	vsub.s32 @!p1 v4, v0  }
0xe9: {  	[tilespmem:$0x27A0] =	vst @!p1 v1;
	v1 =	vmin.u32 @!p1 v2, $0x1388;
	v2 =	vsub.s32 @!p1 v5, v0  }
0xea: {  	[tilespmem:$0x27B0] =	vst @!p1 v1;
	v1 =	vmin.u32 @!p1 v2, $0x1388;
	v2 =	vsub.s32 @!p1 v6, v0  }
0xeb: {  	[tilespmem:$0x27C0] =	vst @!p1 v1;
	v1 =	vmin.u32 @!p1 v2, $0x1388;
	v2 =	vsub.s32 @!p1 v7, v0  }
0xec: {  	[tilespmem:$0x27D0] =	vst @!p1 v1;
	v1 =	vmin.u32 @!p1 v2, $0x1388;
	v2 =	vsub.s32 @!p1 v3, v0  }
0xed: {  	p2 =	seq.s32 s29, $0x0;
	[tilespmem:$0x27E0] =	vst @!p1 v1;
	v1 =	vmin.u32 @!p1 v2, $0x1388  }
0xee: {  	s2 =	simm.s32 @!p1 $0x2780;
	s7 =	simm.s32 @!p1 $0x2980;
	s0 =	simm.s32 @!p1 $0x80;
	[tilespmem:$0x27F0] =	vst @!p1 v1  }
0xef: {  	[spmem:s3] =	stream.indirect.scatter.add.f32 @!p1 [tilespmem:s7], [sflag:$0x6], $0x80, s2, s0, $0xb8;
	[tilespmem:$0x1C600] =	vst v63  }
0xf0: {  	s8 =	sadd.s32 $0x1, s29;
	s0 =	simm.s32 @!p2 $0x7  }
0xf1: {  	p3 =	sge.u32 s8, s6;
	_ =	swait.ge @!p2 [sflag:s0], $0x4000  }
0xf2: {  	s2 =	simm.s32 @!p3 $0x0;
	[sflag:s0] =	ssyncset.done @!p2 $0x0  }
0xf3: {  	s7 =	simm.s32 @!p3 $0x2800;
	[sflag:s0] =	ssyncadd.s32 @!p2 $0xFFFFC000;
	s0 =	sadd.s32 @!p3 $0xFFFFFF00, s31  }
0xf4: {  	[tilespmem:s7], [sflag:$0xB] =	stream.linear.gather @!p3 [hbm4b:s0+s2], $0x80, $0x38;
	[tilespmem:$0x1C600] =	vst v63  }
0xf5: {  	s8 =	simm.s32 @!p3 $0x6980;
	s0 =	sadd.s32 @!p3 $0xFFFFFE80, s30;
	s2 =	simm.s32 @!p3 $0x80  }
0xf6: {  	[tilespmem:s8], [sflag:$0x3] =	stream.indirect.gather @!p3 [hbm4b:s1+s2], $0x80, s0, s2, $0xb8;
	[tilespmem:$0x1C600] =	vst v63  }
0xf7: {  	s0 =	simm.s32 @!p3 $0x3  }
0xf8: {  	_ =	swait.ge @!p3 [sflag:s0], $0x4000  }
0xf9: {  	[sflag:s0] =	ssyncset.done @!p3 $0x0  }
0xfa: {  	[sflag:s0] =	ssyncadd.s32 @!p3 $0xFFFFC000;
	s0 =	simm.s32 @!p3 $0xB  }
0xfb: {  	_ =	swait.ge @!p3 [sflag:s0], $0x80  }
0xfc: {  	[sflag:s0] =	ssyncset.done @!p3 $0x0  }
0xfd: {  	[sflag:s0] =	ssyncadd.s32 @!p3 $0xFFFFFF80  }
0xfe: {  	v1 =	vld @!p3 [tilespmem:$0x2800]  }
0xff: {  	v2 =	vld @!p3 [tilespmem:$0x2810]  }
0x100: {  	v3 =	vld @!p3 [tilespmem:$0x2820]  }
0x101: {  	v4 =	vld @!p3 [tilespmem:$0x2830]  }
0x102: {  	v5 =	vld @!p3 [tilespmem:$0x2840]  }
0x103: {  	v6 =	vld @!p3 [tilespmem:$0x2850];
	v1 =	vsub.s32 @!p3 v1, v0  }
0x104: {  	v7 =	vld @!p3 [tilespmem:$0x2860];
	v2 =	vsub.s32 @!p3 v2, v0;
	v1 =	vmin.u32 @!p3 v1, $0x1388  }
0x105: {  	[tilespmem:$0x2800] =	vst @!p3 v1;
	v1 =	vmin.u32 @!p3 v2, $0x1388;
	v2 =	vsub.s32 @!p3 v3, v0;
	v3 =	vld @!p3 [tilespmem:$0x2870]  }
0x106: {  	[tilespmem:$0x2810] =	vst @!p3 v1;
	v1 =	vmin.u32 @!p3 v2, $0x1388;
	v2 =	vsub.s32 @!p3 v4, v0  }
0x107: {  	[tilespmem:$0x2820] =	vst @!p3 v1;
	v1 =	vmin.u32 @!p3 v2, $0x1388;
	v2 =	vsub.s32 @!p3 v5, v0  }
0x108: {  	[tilespmem:$0x2830] =	vst @!p3 v1;
	v1 =	vmin.u32 @!p3 v2, $0x1388;
	v2 =	vsub.s32 @!p3 v6, v0  }
0x109: {  	[tilespmem:$0x2840] =	vst @!p3 v1;
	v1 =	vmin.u32 @!p3 v2, $0x1388;
	v2 =	vsub.s32 @!p3 v7, v0  }
0x10a: {  	[tilespmem:$0x2850] =	vst @!p3 v1;
	v1 =	vmin.u32 @!p3 v2, $0x1388;
	v2 =	vsub.s32 @!p3 v3, v0  }
0x10b: {  	[tilespmem:$0x2860] =	vst @!p3 v1;
	v1 =	vmin.u32 @!p3 v2, $0x1388  }
0x10c: {  	[tilespmem:$0x2870] =	vst @!p3 v1  }
0x10d: {  	[spmem:s3] =	stream.indirect.scatter.add.f32 @!p3 [tilespmem:s8], [sflag:$0x7], $0x80, s7, s2, $0xb8;
	[tilespmem:$0x1C600] =	vst v63  }
0x10e: {  	p3 =	sge.u32 @!p2 s29, s10  }
0x10f: {  	p4 =	por p3, p2  }
0x110: {  	s0 =	simm.s32 @!p4 $0x8  }
0x111: {  	s7 =	sadd.s32 $0x2, s29;
	_ =	swait.ge @!p4 [sflag:s0], $0x4000  }
0x112: {  	p3 =	sge.u32 s7, s6;
	[sflag:s0] =	ssyncset.done @!p4 $0x0  }
0x113: {  	s2 =	simm.s32 @!p3 $0x2880;
	[sflag:s0] =	ssyncadd.s32 @!p4 $0xFFFFC000;
	s0 =	simm.s32 @!p3 $0x0  }
0x114: {  	[tilespmem:s2], [sflag:$0xC] =	stream.linear.gather @!p3 [hbm4b:s31+s0], $0x80, $0x38;
	[tilespmem:$0x1C600] =	vst v63  }
0x115: {  	s7 =	simm.s32 @!p3 $0x80;
	s8 =	simm.s32 @!p3 $0xA980;
	s0 =	sadd.s32 @!p3 $0xFFFFFF00, s30  }
0x116: {  	[tilespmem:s8], [sflag:$0x4] =	stream.indirect.gather @!p3 [hbm4b:s1+s7], $0x80, s0, s7, $0xb8;
	[tilespmem:$0x1C600] =	vst v63  }
0x117: {  	s0 =	simm.s32 @!p3 $0x4  }
0x118: {  	_ =	swait.ge @!p3 [sflag:s0], $0x4000  }
0x119: {  	[sflag:s0] =	ssyncset.done @!p3 $0x0  }
0x11a: {  	[sflag:s0] =	ssyncadd.s32 @!p3 $0xFFFFC000;
	s0 =	simm.s32 @!p3 $0xC  }
0x11b: {  	_ =	swait.ge @!p3 [sflag:s0], $0x80  }
0x11c: {  	[sflag:s0] =	ssyncset.done @!p3 $0x0  }
0x11d: {  	[sflag:s0] =	ssyncadd.s32 @!p3 $0xFFFFFF80  }
0x11e: {  	v1 =	vld @!p3 [tilespmem:$0x2880]  }
0x11f: {  	v2 =	vld @!p3 [tilespmem:$0x2890]  }
0x120: {  	v3 =	vld @!p3 [tilespmem:$0x28A0]  }
0x121: {  	v4 =	vld @!p3 [tilespmem:$0x28B0]  }
0x122: {  	v5 =	vld @!p3 [tilespmem:$0x28C0]  }
0x123: {  	v6 =	vld @!p3 [tilespmem:$0x28D0];
	v1 =	vsub.s32 @!p3 v1, v0  }
0x124: {  	v7 =	vld @!p3 [tilespmem:$0x28E0];
	v2 =	vsub.s32 @!p3 v2, v0;
	v1 =	vmin.u32 @!p3 v1, $0x1388  }
0x125: {  	[tilespmem:$0x2880] =	vst @!p3 v1;
	v1 =	vmin.u32 @!p3 v2, $0x1388;
	v2 =	vsub.s32 @!p3 v3, v0;
	v3 =	vld @!p3 [tilespmem:$0x28F0]  }
0x126: {  	[tilespmem:$0x2890] =	vst @!p3 v1;
	v1 =	vmin.u32 @!p3 v2, $0x1388;
	v2 =	vsub.s32 @!p3 v4, v0  }
0x127: {  	[tilespmem:$0x28A0] =	vst @!p3 v1;
	v1 =	vmin.u32 @!p3 v2, $0x1388;
	v2 =	vsub.s32 @!p3 v5, v0  }
0x128: {  	[tilespmem:$0x28B0] =	vst @!p3 v1;
	v1 =	vmin.u32 @!p3 v2, $0x1388;
	v2 =	vsub.s32 @!p3 v6, v0  }
0x129: {  	[tilespmem:$0x28C0] =	vst @!p3 v1;
	v1 =	vmin.u32 @!p3 v2, $0x1388;
	v2 =	vsub.s32 @!p3 v7, v0  }
0x12a: {  	[tilespmem:$0x28D0] =	vst @!p3 v1;
	v1 =	vmin.u32 @!p3 v2, $0x1388;
	v2 =	vsub.s32 @!p3 v3, v0  }
0x12b: {  	[tilespmem:$0x28E0] =	vst @!p3 v1;
	v1 =	vmin.u32 @!p3 v2, $0x1388  }
0x12c: {  	[tilespmem:$0x28F0] =	vst @!p3 v1  }
0x12d: {  	[spmem:s3] =	stream.indirect.scatter.add.f32 @!p3 [tilespmem:s8], [sflag:$0x8], $0x80, s2, s7, $0xb8;
	[tilespmem:$0x1C600] =	vst v63  }
0x12e: {  	p3 =	sgt.u32 @!p2 s29, s6  }
0x12f: {  	p2 =	por p3, p2  }
0x130: {  	s0 =	simm.s32 @!p2 $0x9  }
0x131: {  	_ =	swait.ge @!p2 [sflag:s0], $0x4000  }
0x132: {  	s8 =	sadd.s32 $0x3, s29;
	[sflag:s0] =	ssyncset.done @!p2 $0x0  }
0x133: {  	[sflag:s0] =	ssyncadd.s32 @!p2 $0xFFFFC000;
	p2 =	sge.u32 s8, s6  }
0x134: {  	s0 =	sadd.s32 @!p2 $0x100, s31;
	s2 =	simm.s32 @!p2 $0x0;
	s7 =	simm.s32 @!p2 $0x2900  }
0x135: {  	[tilespmem:s7], [sflag:$0xD] =	stream.linear.gather @!p2 [hbm4b:s0+s2], $0x80, $0x38;
	[tilespmem:$0x1C600] =	vst v63  }
0x136: {  	s8 =	simm.s32 @!p2 $0xE980;
	s0 =	sadd.s32 @!p2 $0xFFFFFF80, s30;
	s2 =	simm.s32 @!p2 $0x80  }
0x137: {  	[tilespmem:s8], [sflag:$0x5] =	stream.indirect.gather @!p2 [hbm4b:s1+s2], $0x80, s0, s2, $0xb8;
	[tilespmem:$0x1C600] =	vst v63  }
0x138: {  	s0 =	simm.s32 @!p2 $0x5  }
0x139: {  	_ =	swait.ge @!p2 [sflag:s0], $0x4000  }
0x13a: {  	[sflag:s0] =	ssyncset.done @!p2 $0x0  }
0x13b: {  	[sflag:s0] =	ssyncadd.s32 @!p2 $0xFFFFC000;
	s0 =	simm.s32 @!p2 $0xD  }
0x13c: {  	_ =	swait.ge @!p2 [sflag:s0], $0x80  }
0x13d: {  	[sflag:s0] =	ssyncset.done @!p2 $0x0  }
0x13e: {  	[sflag:s0] =	ssyncadd.s32 @!p2 $0xFFFFFF80  }
0x13f: {  	v1 =	vld @!p2 [tilespmem:$0x2900]  }
0x140: {  	v2 =	vld @!p2 [tilespmem:$0x2910]  }
0x141: {  	v3 =	vld @!p2 [tilespmem:$0x2920]  }
0x142: {  	v4 =	vld @!p2 [tilespmem:$0x2930]  }
0x143: {  	v5 =	vld @!p2 [tilespmem:$0x2940]  }
0x144: {  	v6 =	vld @!p2 [tilespmem:$0x2950];
	v1 =	vsub.s32 @!p2 v1, v0  }
0x145: {  	v7 =	vld @!p2 [tilespmem:$0x2960];
	v2 =	vsub.s32 @!p2 v2, v0;
	v1 =	vmin.u32 @!p2 v1, $0x1388  }
0x146: {  	[tilespmem:$0x2900] =	vst @!p2 v1;
	v1 =	vmin.u32 @!p2 v2, $0x1388;
	v2 =	vsub.s32 @!p2 v3, v0;
	v3 =	vld @!p2 [tilespmem:$0x2970]  }
0x147: {  	[tilespmem:$0x2910] =	vst @!p2 v1;
	v1 =	vmin.u32 @!p2 v2, $0x1388;
	v2 =	vsub.s32 @!p2 v4, v0  }
0x148: {  	[tilespmem:$0x2920] =	vst @!p2 v1;
	v1 =	vmin.u32 @!p2 v2, $0x1388;
	v2 =	vsub.s32 @!p2 v5, v0  }
0x149: {  	[tilespmem:$0x2930] =	vst @!p2 v1;
	v1 =	vmin.u32 @!p2 v2, $0x1388;
	v2 =	vsub.s32 @!p2 v6, v0  }
0x14a: {  	[tilespmem:$0x2940] =	vst @!p2 v1;
	v1 =	vmin.u32 @!p2 v2, $0x1388;
	v2 =	vsub.s32 @!p2 v7, v0  }
0x14b: {  	[tilespmem:$0x2950] =	vst @!p2 v1;
	v1 =	vmin.u32 @!p2 v2, $0x1388;
	v2 =	vsub.s32 @!p2 v3, v0  }
0x14c: {  	[tilespmem:$0x2960] =	vst @!p2 v1;
	v1 =	vmin.u32 @!p2 v2, $0x1388  }
0x14d: {  	s0 =	simm.s32 @!p1 $0x6;
	[tilespmem:$0x2970] =	vst @!p2 v1  }
0x14e: {  	[spmem:s3] =	stream.indirect.scatter.add.f32 @!p2 [tilespmem:s8], [sflag:$0x9], $0x80, s7, s2, $0xb8;
	[tilespmem:$0x1C600] =	vst v63  }
0x14f: {  	_ =	swait.ge @!p1 [sflag:s0], $0x4000  }
0x150: {  	s29 =	sadd.s32 $0x4, s29;
	[sflag:s0] =	ssyncset.done @!p1 $0x0  }
0x151: {  	[sflag:s0] =	ssyncadd.s32 @!p1 $0xFFFFC000;
	p1 =	sge.u32 s29, s6  }
0x152: {  	s0 =	sadd.s32 @!p1 $0x200, s31;
	s2 =	simm.s32 @!p1 $0x0;
	s7 =	simm.s32 @!p1 $0x2780  }
0x153: {  	[tilespmem:s7], [sflag:$0xA] =	stream.linear.gather @!p1 [hbm4b:s0+s2], $0x80, $0x38;
	[tilespmem:$0x1C600] =	vst v63  }
0x154: {  	s0 =	simm.s32 @!p1 $0x80;
	s2 =	simm.s32 @!p1 $0x2980  }
0x155: {  	[tilespmem:s2], [sflag:$0x2] =	stream.indirect.gather @!p1 [hbm4b:s1+s0], $0x80, s30, s0, $0xb8;
	[tilespmem:$0x1C600] =	vst v63  }
0x156: {  	p1 =	sne.s32 s29, $0x54  }
.Ltmp7:
0x157: {  	_ = 	snop;
	(pc) =	sbr.rel @p1 .LBB2_10-.Ltmp7, $2  }
0x158: {  	_ =	sdelay $0x2  }
0x159: {  	s31 =	sadd.s32 $0x400, s31;
	s30 =	sadd.s32 $0x200, s30  }
0x15a: {  	[bflag:$0x0] =	sbarrier.arrive $0xFFFF  }
0x15b: {  	[hbm:s14], [sflag:s25] =	dma.local [spmem:s26], $0x1380  }
0x15c: {  	_ =	swait.ge [sflag:s20], $0x1380  }
0x15d: {  	s24 =	sadd.s32 $0x1, s24;
	[sflag:s20] =	ssyncset.done $0x0  }
0x15e: {  	s0 =	simm.s32 @!p0 $0xE;
	p1 =	sne.s32 s24, s16;
	[sflag:s20] =	ssyncadd.s32 $0xFFFFEC80  }
0x15f: {  	[hbm:s15], [sflag:s25] =	dma.local @!p0 [spmem:s28], $0x80  }
.Ltmp8:
0x160: {  	_ =	swait.ge @!p0 [sflag:s0], $0x80;
	(pc) =	sbr.rel @p1 .LBB2_1-.Ltmp8, $3  }
0x161: {  	[sflag:s0] =	ssyncset.done @!p0 $0x0  }
0x162: {  	[sflag:s0] =	ssyncadd.s32 @!p0 $0xFFFFFF80  }
0x163: {  	[bflag:$0x0] =	sbarrier.arrive $0xFFFF;
	_ =	sdelay $0x1  }
0x164: {  	_ =	sfence.sel $0x180000  }
0x165: {  	[bflag:$0x0] =	sbarrier.arrive $0xFFFF  }
0x166: {  	_ =	strace $0x90000047  }
0x167: {  	s0 =	stileid.u32;
	[bflag:$0x2] =	sbarrier.arrive $0xFFFF  }
0x168: {  	p0 =	sne.s32 s0, $0x0;
	s0 =	rddreg [dreg:$0x3]  }
0x169: {  	s0 =	sadd.s32 @!p0 $0x100000, s0  }
0x16a: {  	[sflag:s0] =	ssyncadd.tile.s32 @!p0 $0x1;
	_ =	shalt  }
.Lfunc_end2:
_tile_overlayer_lowered:
.L_overlay_start_2:
0x16b: {  	(tag) =	ssettag $0x2  }
0x16c: {  	s0 =	rddreg [dreg:$0x0];
	s2 =	stileid.u32  }
0x16d: {  	s1 =	rddreg [dreg:$0x1];
	p0 =	sne.s32 s2, $0x0  }
0x16e: {  	s3 =	rddreg [dreg:$0x2];
	[bflag:$0x3] =	sbarrier.arrive $0xFFFF;
	s2 =	simm.s32 @!p0 $0x1C0E  }
0x16f: {  	[timem:s3], [sflag:s2] =	dma.local @!p0 [hbm:s0], s1  }
0x170: {  	s0 =	simm.s32 @!p0 $0xE  }
0x171: {  	_ =	swait.ge @!p0 [sflag:s0], s1  }
0x172: {  	s1 =	ssub.s32 @!p0 $0x0, s1;
	[sflag:s0] =	ssyncset.done @!p0 $0x0  }
0x173: {  	[sflag:s0] =	ssyncadd.s32 @!p0 s1  }
0x174: {  	[bflag:$0x3] =	sbarrier.arrive $0xFFFF  }
0x175: {  	_ =	shalt  }

</sc_bundles>
